<compile_context>
chip_gen: v7x
topology: tpu7x:2x2x1
jax: 0.10.2.dev20260603
libtpu: 0.0.44.dev20260713+nightly
codegen_flags: <defaults>
</compile_context>

<pallas_src>
import functools

import jax
import jax.numpy as jnp
from jax import lax
from jax.experimental import pallas as pl
from jax.experimental.pallas import tpu as pltpu
from jax.experimental.pallas import tpu_sc as plsc

LANES = 16


@functools.lru_cache(maxsize=None)
def _build(bt: int, c: int, v: int, d: int):
    info = plsc.get_sparse_core_info()
    nc, ns = info.num_cores, info.num_subcores
    nw = nc * ns
    chunk = 16
    assert bt % (nw * chunk) == 0
    pos_per_w = bt // nw
    nchunk = pos_per_w // chunk
    assert nchunk % 2 == 0 and nchunk >= 6
    rows = chunk * c
    assert rows % LANES == 0 and d % LANES == 0 and LANES % c == 0

    mesh = plsc.VectorSubcoreMesh(core_axis_name="c", subcore_axis_name="s")

    def body(tab, tok, scl, out, tok_all, gb0, gb1, ob0, ob1,
             scale_v, gsem0, gsem1, osem0, osem1):
        wid = lax.axis_index("s") * nc + lax.axis_index("c")
        base = wid * pos_per_w

        pltpu.sync_copy(scl, scale_v)
        pltpu.sync_copy(tok.at[pl.ds(base * c, pos_per_w * c)], tok_all)
        svec = [scale_v[pl.ds(i * LANES, LANES)] for i in range(c)]
        offpat = (lax.iota(jnp.int32, LANES) % c) * v

        @plsc.parallel_loop(0, pos_per_w * c // LANES, unroll=4)
        def _mkidx(k):
            sl = pl.ds(k * LANES, LANES)
            tok_all[sl] = tok_all[sl] + offpat

        gbs = (gb0, gb1)
        obs = (ob0, ob1)
        gsems = (gsem0, gsem1)
        osems = (osem0, osem1)

        def issue(g, b):
            idx = tok_all.at[pl.ds(g * rows, rows)]
            pltpu.make_async_copy(tab.at[idx], gbs[b], gsems[b]).start()

        def accumulate(b):
            gb, ob = gbs[b], obs[b]

            @plsc.parallel_loop(0, chunk)
            def _pos(p):
                r0 = p * c

                @plsc.parallel_loop(0, d // LANES, unroll=2)
                def _blk(di):
                    sl = pl.ds(di * LANES, LANES)
                    terms = [gb[r0 + i, sl] * svec[i] for i in range(c)]
                    while len(terms) > 1:
                        nxt = [terms[j] + terms[j + 1]
                               for j in range(0, len(terms) - 1, 2)]
                        if len(terms) % 2:
                            nxt[-1] = nxt[-1] + terms[-1]
                        terms = nxt
                    ob[p, sl] = terms[0]

        def out_copy(g, b):
            return pltpu.make_async_copy(
                obs[b], out.at[pl.ds(base + g * chunk, chunk)], osems[b])

        def consume(g, b, drain):
            idx = tok_all.at[pl.ds(g * rows, rows)]
            pltpu.make_async_copy(tab.at[idx], gbs[b], gsems[b]).wait()
            if drain:
                out_copy(g - 2, b).wait()
            accumulate(b)
            out_copy(g, b).start()

        issue(0, 0)
        issue(1, 1)
        consume(0, 0, drain=False)
        issue(2, 0)
        consume(1, 1, drain=False)
        issue(3, 1)

        def outer(i, carry):
            g0 = 2 * i
            consume(g0, 0, drain=True)
            issue(g0 + 2, 0)
            consume(g0 + 1, 1, drain=True)
            issue(g0 + 3, 1)
            return carry

        lax.fori_loop(1, nchunk // 2 - 1, outer, 0)
        consume(nchunk - 2, 0, drain=True)
        consume(nchunk - 1, 1, drain=True)
        out_copy(nchunk - 2, 0).wait()
        out_copy(nchunk - 1, 1).wait()

    return pl.kernel(
        body,
        out_type=jax.ShapeDtypeStruct((bt, d), jnp.float32),
        mesh=mesh,
        scratch_types=[
            pltpu.VMEM((pos_per_w * c,), jnp.int32),
            pltpu.VMEM((rows, d), jnp.float32),
            pltpu.VMEM((rows, d), jnp.float32),
            pltpu.VMEM((chunk, d), jnp.float32),
            pltpu.VMEM((chunk, d), jnp.float32),
            pltpu.VMEM((c * LANES,), jnp.float32),
            pltpu.SemaphoreType.DMA,
            pltpu.SemaphoreType.DMA,
            pltpu.SemaphoreType.DMA,
            pltpu.SemaphoreType.DMA,
        ],
    )


def kernel(tokens, tables, level_scale):
    b, t, c = tokens.shape
    _, v, d = tables.shape
    tok_flat = tokens.astype(jnp.int32).reshape(b * t * c)
    tab_flat = tables.reshape(c * v, d)
    scl = jnp.repeat(level_scale.astype(jnp.float32), LANES)
    out = _build(b * t, c, v, d)(tab_flat, tok_flat, scl)
    return out.reshape(b, t, d)

# --- scband reference (transcript-rebuilt; emitter-appended) ---
"""Pipeline reference for scband-multi-codebook-embedding-77429670413071 (READ-ONLY COPY).

The authoritative reference and input builder live on the scoring server;
editing this copy changes nothing except your own understanding.
"""

import jax, jax.numpy as jnp
import numpy as np

NUM_CODEBOOKS = 8
VOCAB = 2048
EMBED_DIM = 256
B, T = 1024, 200

def setup_inputs(seed: int = 0) -> dict:
    key = jax.random.key(seed)
    k_tok, k_tab = jax.random.split(key)
    tokens = jax.random.randint(k_tok, (B, T, NUM_CODEBOOKS), 0, VOCAB, dtype=jnp.int64 if jax.config.jax_enable_x64 else jnp.int32)
    tables = jax.random.normal(k_tab, (NUM_CODEBOOKS, VOCAB, EMBED_DIM), dtype=jnp.float32) * 0.02
    level_scale = jnp.ones((NUM_CODEBOOKS,), dtype=jnp.float32)
    return {"tokens": tokens, "tables": tables, "level_scale": level_scale}

def reference(tokens, tables, level_scale):
    # tokens: (B, T, C) int; tables: (C, V, D); level_scale: (C,)
    embeds = []
    for i in range(NUM_CODEBOOKS):
        e = jnp.take(tables[i], tokens[:, :, i], axis=0)  # (B, T, D) gather
        e = e * level_scale[i]
        embeds.append(e)
    out = jnp.stack(embeds, axis=0).sum(axis=0)  # fusion='sum'
    return out

if __name__ == "__main__":
    import jax
    _d = setup_inputs()
    print(jax.jit(kernel)(*tuple(_d.values())))

</pallas_src>

<mosaic_0001>
#map = affine_map<(d0, d1) -> (0, 0)>
#map1 = affine_map<(d0, d1) -> (0)>
module attributes {stable_mosaic.version = 14 : i64} {
  func.func @body(%arg0: i32, %arg1: i32, %arg2: memref<16384x256xf32, #tpu.memory_space<hbm>>, %arg3: memref<1638400xi32, #tpu.memory_space<hbm>>, %arg4: memref<128xf32, #tpu.memory_space<hbm>>, %arg5: memref<204800x256xf32, #tpu.memory_space<hbm>>, %arg6: memref<51200xi32, #tpu.memory_space<vmem>>, %arg7: memref<128x256xf32, #tpu.memory_space<vmem>>, %arg8: memref<128x256xf32, #tpu.memory_space<vmem>>, %arg9: memref<16x256xf32, #tpu.memory_space<vmem>>, %arg10: memref<16x256xf32, #tpu.memory_space<vmem>>, %arg11: memref<128xf32, #tpu.memory_space<vmem>>, %arg12: memref<!tpu.dma_semaphore, #tpu.memory_space<semaphore_mem>>, %arg13: memref<!tpu.dma_semaphore, #tpu.memory_space<semaphore_mem>>, %arg14: memref<!tpu.dma_semaphore, #tpu.memory_space<semaphore_mem>>, %arg15: memref<!tpu.dma_semaphore, #tpu.memory_space<semaphore_mem>>) attributes {dimension_semantics = [#tpu.dimension_semantics<core_parallel>, #tpu.dimension_semantics<subcore_parallel>], iteration_bounds = array<i64: 2, 16>, scalar_prefetch = 0 : i64, scratch_operands = 10 : i64, tpu.core_type = #tpu.core_type<sc_vector_subcore>, window_params = [{transform_indices = #map}, {transform_indices = #map1}, {transform_indices = #map1}, {transform_indices = #map}]} {
    %mul3A = arith.constant 2 : i32
    %mul3A_0 = arith.muli %arg1, %mul3A : i32
    %add3A = arith.addi %mul3A_0, %arg0 : i32
    %mul3A_1 = arith.constant 6400 : i32
    %mul3A_2 = arith.muli %add3A, %mul3A_1 : i32
    "tpu.region"() ({
      %run_scoped3A = tpu.sem_alloc : memref<!tpu.dma_semaphore, #tpu.memory_space<semaphore_mem>>
      tpu.enqueue_dma source(%arg4 : memref<128xf32, #tpu.memory_space<hbm>>) target(%arg11 : memref<128xf32, #tpu.memory_space<vmem>>) target_semaphore(%run_scoped3A : memref<!tpu.dma_semaphore, #tpu.memory_space<semaphore_mem>>)
      tpu.wait_dma2 semaphore(%run_scoped3A : memref<!tpu.dma_semaphore, #tpu.memory_space<semaphore_mem>>) src(%arg4 : memref<128xf32, #tpu.memory_space<hbm>>) dst(%arg11 : memref<128xf32, #tpu.memory_space<vmem>>)
      tpu.yield
    }) : () -> ()
    %mul3A_3 = arith.constant 8 : i32
    %mul3A_4 = arith.muli %mul3A_2, %mul3A_3 : i32
    "tpu.region"() ({
      %run_scoped3A = tpu.sem_alloc : memref<!tpu.dma_semaphore, #tpu.memory_space<semaphore_mem>>
      %dma_start3A_151 = tpu.memref_slice %arg3[%mul3A_4] : memref<1638400xi32, #tpu.memory_space<hbm>> -> memref<51200xi32, #tpu.memory_space<hbm>>
      %dma_start3A_152 = tpu.memref_slice %arg3[%mul3A_4] : memref<1638400xi32, #tpu.memory_space<hbm>> -> memref<51200xi32, #tpu.memory_space<hbm>>
      tpu.enqueue_dma source(%dma_start3A_152 : memref<51200xi32, #tpu.memory_space<hbm>>) target(%arg6 : memref<51200xi32, #tpu.memory_space<vmem>>) target_semaphore(%run_scoped3A : memref<!tpu.dma_semaphore, #tpu.memory_space<semaphore_mem>>)
      %dma_wait3A_153 = tpu.memref_slice %arg3[%mul3A_4] : memref<1638400xi32, #tpu.memory_space<hbm>> -> memref<51200xi32, #tpu.memory_space<hbm>>
      %dma_wait3A_154 = tpu.memref_slice %arg3[%mul3A_4] : memref<1638400xi32, #tpu.memory_space<hbm>> -> memref<51200xi32, #tpu.memory_space<hbm>>
      tpu.wait_dma2 semaphore(%run_scoped3A : memref<!tpu.dma_semaphore, #tpu.memory_space<semaphore_mem>>) src(%dma_wait3A_154 : memref<51200xi32, #tpu.memory_space<hbm>>) dst(%arg6 : memref<51200xi32, #tpu.memory_space<vmem>>)
      tpu.yield
    }) : () -> ()
    %get3A = arith.constant 0 : index
    %get3A_5 = tpu.vector_load %arg11[%get3A] {strides = array<i32>} : memref<128xf32, #tpu.memory_space<vmem>>, vector<16xf32>,
    %get3A_6 = vector.shape_cast %get3A_5 : vector<16xf32> to vector<16xf32>
    %get3A_7 = arith.constant 16 : index
    %get3A_8 = tpu.vector_load %arg11[%get3A_7] {strides = array<i32>} : memref<128xf32, #tpu.memory_space<vmem>>, vector<16xf32>,
    %get3A_9 = vector.shape_cast %get3A_8 : vector<16xf32> to vector<16xf32>
    %get3A_10 = arith.constant 32 : index
    %get3A_11 = tpu.vector_load %arg11[%get3A_10] {strides = array<i32>} : memref<128xf32, #tpu.memory_space<vmem>>, vector<16xf32>,
    %get3A_12 = vector.shape_cast %get3A_11 : vector<16xf32> to vector<16xf32>
    %get3A_13 = arith.constant 48 : index
    %get3A_14 = tpu.vector_load %arg11[%get3A_13] {strides = array<i32>} : memref<128xf32, #tpu.memory_space<vmem>>, vector<16xf32>,
    %get3A_15 = vector.shape_cast %get3A_14 : vector<16xf32> to vector<16xf32>
    %get3A_16 = arith.constant 64 : index
    %get3A_17 = tpu.vector_load %arg11[%get3A_16] {strides = array<i32>} : memref<128xf32, #tpu.memory_space<vmem>>, vector<16xf32>,
    %get3A_18 = vector.shape_cast %get3A_17 : vector<16xf32> to vector<16xf32>
    %get3A_19 = arith.constant 80 : index
    %get3A_20 = tpu.vector_load %arg11[%get3A_19] {strides = array<i32>} : memref<128xf32, #tpu.memory_space<vmem>>, vector<16xf32>,
    %get3A_21 = vector.shape_cast %get3A_20 : vector<16xf32> to vector<16xf32>
    %get3A_22 = arith.constant 96 : index
    %get3A_23 = tpu.vector_load %arg11[%get3A_22] {strides = array<i32>} : memref<128xf32, #tpu.memory_space<vmem>>, vector<16xf32>,
    %get3A_24 = vector.shape_cast %get3A_23 : vector<16xf32> to vector<16xf32>
    %get3A_25 = arith.constant 112 : index
    %get3A_26 = tpu.vector_load %arg11[%get3A_25] {strides = array<i32>} : memref<128xf32, #tpu.memory_space<vmem>>, vector<16xf32>,
    %get3A_27 = vector.shape_cast %get3A_26 : vector<16xf32> to vector<16xf32>
    %iota3A = tpu.iota {dimensions = array<i32: 0>} : vector<16xi32>
    %jit3A = arith.constant 8 : i32
    %eq3A = arith.constant 0 : i32
    %eq3A_28 = arith.cmpi eq, %jit3A, %eq3A : i32
    %jit3A_29 = arith.constant 1 : i32
    %select_n3A = arith.select %eq3A_28, %jit3A_29, %jit3A : i32
    %rem3A = vector.broadcast %select_n3A : i32 to vector<16xi32>
    %rem3A_30 = arith.remsi %iota3A, %rem3A : vector<16xi32>
    %ne3A = arith.constant 0 : i32
    %ne3A_31 = vector.broadcast %ne3A : i32 to vector<16xi32>
    %ne3A_32 = arith.cmpi ne, %rem3A_30, %ne3A_31 : vector<16xi32>
    %lt3A = arith.constant 0 : i32
    %lt3A_33 = vector.broadcast %lt3A : i32 to vector<16xi32>
    %lt3A_34 = arith.cmpi slt, %rem3A_30, %lt3A_33 : vector<16xi32>
    %lt3A_35 = arith.constant 0 : i32
    %lt3A_36 = arith.cmpi slt, %select_n3A, %lt3A_35 : i32
    %ne3A_37 = vector.broadcast %lt3A_36 : i1 to vector<16xi1>
    %ne3A_38 = vector.broadcast %ne3A_37 : vector<16xi1> to vector<16xi1>
    %ne3A_39 = arith.xori %lt3A_34, %ne3A_38 : vector<16xi1>
    %and3A = arith.andi %ne3A_39, %ne3A_32 : vector<16xi1>
    %add3A_40 = vector.broadcast %select_n3A : i32 to vector<16xi32>
    %add3A_41 = arith.addi %rem3A_30, %add3A_40 : vector<16xi32>
    %select_n3A_42 = arith.select %and3A, %add3A_41, %rem3A_30 : vector<16xi1>, vector<16xi32>
    %mul3A_43 = arith.constant 2048 : i32
    %mul3A_44 = vector.broadcast %mul3A_43 : i32 to vector<16xi32>
    %mul3A_45 = arith.muli %select_n3A_42, %mul3A_44 : vector<16xi32>
    %parallel_loop3A = arith.constant 0 : i32
    %parallel_loop3A_46 = arith.constant 3200 : i32
    %parallel_loop3A_47 = arith.constant 1 : i32
    scf.for %parallel_loop3A_151 = %parallel_loop3A to %parallel_loop3A_46 step %parallel_loop3A_47  : i32 {
      %parallel_loop3A_152 = arith.constant 16 : i32
      %parallel_loop3A_153 = arith.muli %parallel_loop3A_151, %parallel_loop3A_152 : i32
      %parallel_loop3A_154 = arith.index_cast %parallel_loop3A_153 : i32 to index
      %parallel_loop3A_155 = tpu.vector_load %arg6[%parallel_loop3A_154] {strides = array<i32>} : memref<51200xi32, #tpu.memory_space<vmem>>, vector<16xi32>,
      %parallel_loop3A_156 = vector.shape_cast %parallel_loop3A_155 : vector<16xi32> to vector<16xi32>
      %parallel_loop3A_157 = arith.addi %parallel_loop3A_156, %mul3A_45 : vector<16xi32>
      %parallel_loop3A_158 = arith.index_cast %parallel_loop3A_153 : i32 to index
      %parallel_loop3A_159 = tpu.vector_load %arg6[%parallel_loop3A_158] {strides = array<i32>} : memref<51200xi32, #tpu.memory_space<vmem>>, vector<16xi32>,
      %parallel_loop3A_160 = vector.shape_cast %parallel_loop3A_159 : vector<16xi32> to vector<16xi32>
      %parallel_loop3A_161 = vector.shape_cast %parallel_loop3A_157 : vector<16xi32> to vector<16xi32>
      tpu.vector_store %arg6[%parallel_loop3A_158], %parallel_loop3A_161 {strides = array<i32>} : memref<51200xi32, #tpu.memory_space<vmem>>, vector<16xi32>,
    } {sc.loop_unroll_factor = 4 : i64, sc.parallel_access}
    %dma_start3A = arith.constant 0 : i32
    %dma_start3A_48 = tpu.memref_slice %arg6[%dma_start3A] : memref<51200xi32, #tpu.memory_space<vmem>> -> memref<128xi32, #tpu.memory_space<vmem>>
    %dma_start3A_49 = arith.constant 0 : i32
    %dma_start3A_50 = arith.constant 0 : i32
    %dma_start3A_51 = tpu.memref_slice %arg2[%dma_start3A_49, %dma_start3A_50] : memref<16384x256xf32, #tpu.memory_space<hbm>> -> memref<16384x256xf32, #tpu.memory_space<hbm>>
    tpu.enqueue_indirect_dma source(%dma_start3A_51 : memref<16384x256xf32, #tpu.memory_space<hbm>>) target(%arg7 : memref<128x256xf32, #tpu.memory_space<vmem>>) offsets(%dma_start3A_48 : memref<128xi32, #tpu.memory_space<vmem>>) semaphore(%arg12 : memref<!tpu.dma_semaphore, #tpu.memory_space<semaphore_mem>>)
    %dma_start3A_52 = arith.constant 128 : i32
    %dma_start3A_53 = tpu.memref_slice %arg6[%dma_start3A_52] : memref<51200xi32, #tpu.memory_space<vmem>> -> memref<128xi32, #tpu.memory_space<vmem>>
    %dma_start3A_54 = arith.constant 0 : i32
    %dma_start3A_55 = arith.constant 0 : i32
    %dma_start3A_56 = tpu.memref_slice %arg2[%dma_start3A_54, %dma_start3A_55] : memref<16384x256xf32, #tpu.memory_space<hbm>> -> memref<16384x256xf32, #tpu.memory_space<hbm>>
    tpu.enqueue_indirect_dma source(%dma_start3A_56 : memref<16384x256xf32, #tpu.memory_space<hbm>>) target(%arg8 : memref<128x256xf32, #tpu.memory_space<vmem>>) offsets(%dma_start3A_53 : memref<128xi32, #tpu.memory_space<vmem>>) semaphore(%arg13 : memref<!tpu.dma_semaphore, #tpu.memory_space<semaphore_mem>>)
    %dma_wait3A = arith.constant 0 : i32
    %dma_wait3A_57 = tpu.memref_slice %arg6[%dma_wait3A] : memref<51200xi32, #tpu.memory_space<vmem>> -> memref<128xi32, #tpu.memory_space<vmem>>
    %dma_wait3A_58 = arith.constant 0 : i32
    %dma_wait3A_59 = arith.constant 0 : i32
    %dma_wait3A_60 = tpu.memref_slice %arg2[%dma_wait3A_58, %dma_wait3A_59] : memref<16384x256xf32, #tpu.memory_space<hbm>> -> memref<16384x256xf32, #tpu.memory_space<hbm>>
    tpu.wait_indirect_dma semaphore(%arg12 : memref<!tpu.dma_semaphore, #tpu.memory_space<semaphore_mem>>) src(%dma_wait3A_60 : memref<16384x256xf32, #tpu.memory_space<hbm>>) dst(%arg7 : memref<128x256xf32, #tpu.memory_space<vmem>>)
    %parallel_loop3A_61 = arith.constant 0 : i32
    %parallel_loop3A_62 = arith.constant 16 : i32
    %parallel_loop3A_63 = arith.constant 1 : i32
    scf.for %parallel_loop3A_151 = %parallel_loop3A_61 to %parallel_loop3A_62 step %parallel_loop3A_63  : i32 {
      %parallel_loop3A_152 = arith.constant 8 : i32
      %parallel_loop3A_153 = arith.muli %parallel_loop3A_151, %parallel_loop3A_152 : i32
      %parallel_loop3A_154 = arith.constant 0 : i32
      %parallel_loop3A_155 = arith.constant 16 : i32
      %parallel_loop3A_156 = arith.constant 1 : i32
      scf.for %parallel_loop3A_157 = %parallel_loop3A_154 to %parallel_loop3A_155 step %parallel_loop3A_156  : i32 {
        %parallel_loop3A_158 = arith.constant 16 : i32
        %parallel_loop3A_159 = arith.muli %parallel_loop3A_157, %parallel_loop3A_158 : i32
        %parallel_loop3A_160 = arith.constant 0 : i32
        %parallel_loop3A_161 = arith.addi %parallel_loop3A_153, %parallel_loop3A_160 : i32
        %parallel_loop3A_162 = arith.index_cast %parallel_loop3A_161 : i32 to index
        %parallel_loop3A_163 = arith.index_cast %parallel_loop3A_159 : i32 to index
        %parallel_loop3A_164 = tpu.vector_load %arg7[%parallel_loop3A_162, %parallel_loop3A_163] {strides = array<i32>} : memref<128x256xf32, #tpu.memory_space<vmem>>, vector<1x16xf32>,
        %parallel_loop3A_165 = vector.shape_cast %parallel_loop3A_164 : vector<1x16xf32> to vector<16xf32>
        %parallel_loop3A_166 = arith.mulf %parallel_loop3A_165, %get3A_6 : vector<16xf32>
        %parallel_loop3A_167 = arith.constant 1 : i32
        %parallel_loop3A_168 = arith.addi %parallel_loop3A_153, %parallel_loop3A_167 : i32
        %parallel_loop3A_169 = arith.index_cast %parallel_loop3A_168 : i32 to index
        %parallel_loop3A_170 = arith.index_cast %parallel_loop3A_159 : i32 to index
        %parallel_loop3A_171 = tpu.vector_load %arg7[%parallel_loop3A_169, %parallel_loop3A_170] {strides = array<i32>} : memref<128x256xf32, #tpu.memory_space<vmem>>, vector<1x16xf32>,
        %parallel_loop3A_172 = vector.shape_cast %parallel_loop3A_171 : vector<1x16xf32> to vector<16xf32>
        %parallel_loop3A_173 = arith.mulf %parallel_loop3A_172, %get3A_9 : vector<16xf32>
        %parallel_loop3A_174 = arith.constant 2 : i32
        %parallel_loop3A_175 = arith.addi %parallel_loop3A_153, %parallel_loop3A_174 : i32
        %parallel_loop3A_176 = arith.index_cast %parallel_loop3A_175 : i32 to index
        %parallel_loop3A_177 = arith.index_cast %parallel_loop3A_159 : i32 to index
        %parallel_loop3A_178 = tpu.vector_load %arg7[%parallel_loop3A_176, %parallel_loop3A_177] {strides = array<i32>} : memref<128x256xf32, #tpu.memory_space<vmem>>, vector<1x16xf32>,
        %parallel_loop3A_179 = vector.shape_cast %parallel_loop3A_178 : vector<1x16xf32> to vector<16xf32>
        %parallel_loop3A_180 = arith.mulf %parallel_loop3A_179, %get3A_12 : vector<16xf32>
        %parallel_loop3A_181 = arith.constant 3 : i32
        %parallel_loop3A_182 = arith.addi %parallel_loop3A_153, %parallel_loop3A_181 : i32
        %parallel_loop3A_183 = arith.index_cast %parallel_loop3A_182 : i32 to index
        %parallel_loop3A_184 = arith.index_cast %parallel_loop3A_159 : i32 to index
        %parallel_loop3A_185 = tpu.vector_load %arg7[%parallel_loop3A_183, %parallel_loop3A_184] {strides = array<i32>} : memref<128x256xf32, #tpu.memory_space<vmem>>, vector<1x16xf32>,
        %parallel_loop3A_186 = vector.shape_cast %parallel_loop3A_185 : vector<1x16xf32> to vector<16xf32>
        %parallel_loop3A_187 = arith.mulf %parallel_loop3A_186, %get3A_15 : vector<16xf32>
        %parallel_loop3A_188 = arith.constant 4 : i32
        %parallel_loop3A_189 = arith.addi %parallel_loop3A_153, %parallel_loop3A_188 : i32
        %parallel_loop3A_190 = arith.index_cast %parallel_loop3A_189 : i32 to index
        %parallel_loop3A_191 = arith.index_cast %parallel_loop3A_159 : i32 to index
        %parallel_loop3A_192 = tpu.vector_load %arg7[%parallel_loop3A_190, %parallel_loop3A_191] {strides = array<i32>} : memref<128x256xf32, #tpu.memory_space<vmem>>, vector<1x16xf32>,
        %parallel_loop3A_193 = vector.shape_cast %parallel_loop3A_192 : vector<1x16xf32> to vector<16xf32>
        %parallel_loop3A_194 = arith.mulf %parallel_loop3A_193, %get3A_18 : vector<16xf32>
        %parallel_loop3A_195 = arith.constant 5 : i32
        %parallel_loop3A_196 = arith.addi %parallel_loop3A_153, %parallel_loop3A_195 : i32
        %parallel_loop3A_197 = arith.index_cast %parallel_loop3A_196 : i32 to index
        %parallel_loop3A_198 = arith.index_cast %parallel_loop3A_159 : i32 to index
        %parallel_loop3A_199 = tpu.vector_load %arg7[%parallel_loop3A_197, %parallel_loop3A_198] {strides = array<i32>} : memref<128x256xf32, #tpu.memory_space<vmem>>, vector<1x16xf32>,
        %parallel_loop3A_200 = vector.shape_cast %parallel_loop3A_199 : vector<1x16xf32> to vector<16xf32>
        %parallel_loop3A_201 = arith.mulf %parallel_loop3A_200, %get3A_21 : vector<16xf32>
        %parallel_loop3A_202 = arith.constant 6 : i32
        %parallel_loop3A_203 = arith.addi %parallel_loop3A_153, %parallel_loop3A_202 : i32
        %parallel_loop3A_204 = arith.index_cast %parallel_loop3A_203 : i32 to index
        %parallel_loop3A_205 = arith.index_cast %parallel_loop3A_159 : i32 to index
        %parallel_loop3A_206 = tpu.vector_load %arg7[%parallel_loop3A_204, %parallel_loop3A_205] {strides = array<i32>} : memref<128x256xf32, #tpu.memory_space<vmem>>, vector<1x16xf32>,
        %parallel_loop3A_207 = vector.shape_cast %parallel_loop3A_206 : vector<1x16xf32> to vector<16xf32>
        %parallel_loop3A_208 = arith.mulf %parallel_loop3A_207, %get3A_24 : vector<16xf32>
        %parallel_loop3A_209 = arith.constant 7 : i32
        %parallel_loop3A_210 = arith.addi %parallel_loop3A_153, %parallel_loop3A_209 : i32
        %parallel_loop3A_211 = arith.index_cast %parallel_loop3A_210 : i32 to index
        %parallel_loop3A_212 = arith.index_cast %parallel_loop3A_159 : i32 to index
        %parallel_loop3A_213 = tpu.vector_load %arg7[%parallel_loop3A_211, %parallel_loop3A_212] {strides = array<i32>} : memref<128x256xf32, #tpu.memory_space<vmem>>, vector<1x16xf32>,
        %parallel_loop3A_214 = vector.shape_cast %parallel_loop3A_213 : vector<1x16xf32> to vector<16xf32>
        %parallel_loop3A_215 = arith.mulf %parallel_loop3A_214, %get3A_27 : vector<16xf32>
        %parallel_loop3A_216 = arith.addf %parallel_loop3A_166, %parallel_loop3A_173 : vector<16xf32>
        %parallel_loop3A_217 = arith.addf %parallel_loop3A_180, %parallel_loop3A_187 : vector<16xf32>
        %parallel_loop3A_218 = arith.addf %parallel_loop3A_194, %parallel_loop3A_201 : vector<16xf32>
        %parallel_loop3A_219 = arith.addf %parallel_loop3A_208, %parallel_loop3A_215 : vector<16xf32>
        %parallel_loop3A_220 = arith.addf %parallel_loop3A_216, %parallel_loop3A_217 : vector<16xf32>
        %parallel_loop3A_221 = arith.addf %parallel_loop3A_218, %parallel_loop3A_219 : vector<16xf32>
        %parallel_loop3A_222 = arith.addf %parallel_loop3A_220, %parallel_loop3A_221 : vector<16xf32>
        %parallel_loop3A_223 = arith.index_cast %parallel_loop3A_151 : i32 to index
        %parallel_loop3A_224 = arith.index_cast %parallel_loop3A_159 : i32 to index
        %parallel_loop3A_225 = tpu.vector_load %arg9[%parallel_loop3A_223, %parallel_loop3A_224] {strides = array<i32>} : memref<16x256xf32, #tpu.memory_space<vmem>>, vector<1x16xf32>,
        %parallel_loop3A_226 = vector.shape_cast %parallel_loop3A_225 : vector<1x16xf32> to vector<16xf32>
        %parallel_loop3A_227 = vector.shape_cast %parallel_loop3A_222 : vector<16xf32> to vector<1x16xf32>
        tpu.vector_store %arg9[%parallel_loop3A_223, %parallel_loop3A_224], %parallel_loop3A_227 {strides = array<i32>} : memref<16x256xf32, #tpu.memory_space<vmem>>, vector<1x16xf32>,
      } {sc.loop_unroll_factor = 2 : i64, sc.parallel_access}
    } {sc.loop_unroll_factor = 1 : i64, sc.parallel_access}
    %add3A_64 = arith.constant 0 : i32
    %add3A_65 = arith.addi %mul3A_2, %add3A_64 : i32
    %dma_start3A_66 = arith.constant 0 : i32
    %dma_start3A_67 = tpu.memref_slice %arg5[%add3A_65, %dma_start3A_66] : memref<204800x256xf32, #tpu.memory_space<hbm>> -> memref<16x256xf32, #tpu.memory_space<hbm>>
    %dma_start3A_68 = arith.constant 0 : i32
    %dma_start3A_69 = tpu.memref_slice %arg5[%add3A_65, %dma_start3A_68] : memref<204800x256xf32, #tpu.memory_space<hbm>> -> memref<16x256xf32, #tpu.memory_space<hbm>>
    tpu.enqueue_dma source(%arg9 : memref<16x256xf32, #tpu.memory_space<vmem>>) target(%dma_start3A_69 : memref<16x256xf32, #tpu.memory_space<hbm>>) target_semaphore(%arg14 : memref<!tpu.dma_semaphore, #tpu.memory_space<semaphore_mem>>)
    %dma_start3A_70 = arith.constant 256 : i32
    %dma_start3A_71 = tpu.memref_slice %arg6[%dma_start3A_70] : memref<51200xi32, #tpu.memory_space<vmem>> -> memref<128xi32, #tpu.memory_space<vmem>>
    %dma_start3A_72 = arith.constant 0 : i32
    %dma_start3A_73 = arith.constant 0 : i32
    %dma_start3A_74 = tpu.memref_slice %arg2[%dma_start3A_72, %dma_start3A_73] : memref<16384x256xf32, #tpu.memory_space<hbm>> -> memref<16384x256xf32, #tpu.memory_space<hbm>>
    tpu.enqueue_indirect_dma source(%dma_start3A_74 : memref<16384x256xf32, #tpu.memory_space<hbm>>) target(%arg7 : memref<128x256xf32, #tpu.memory_space<vmem>>) offsets(%dma_start3A_71 : memref<128xi32, #tpu.memory_space<vmem>>) semaphore(%arg12 : memref<!tpu.dma_semaphore, #tpu.memory_space<semaphore_mem>>)
    %dma_wait3A_75 = arith.constant 128 : i32
    %dma_wait3A_76 = tpu.memref_slice %arg6[%dma_wait3A_75] : memref<51200xi32, #tpu.memory_space<vmem>> -> memref<128xi32, #tpu.memory_space<vmem>>
    %dma_wait3A_77 = arith.constant 0 : i32
    %dma_wait3A_78 = arith.constant 0 : i32
    %dma_wait3A_79 = tpu.memref_slice %arg2[%dma_wait3A_77, %dma_wait3A_78] : memref<16384x256xf32, #tpu.memory_space<hbm>> -> memref<16384x256xf32, #tpu.memory_space<hbm>>
    tpu.wait_indirect_dma semaphore(%arg13 : memref<!tpu.dma_semaphore, #tpu.memory_space<semaphore_mem>>) src(%dma_wait3A_79 : memref<16384x256xf32, #tpu.memory_space<hbm>>) dst(%arg8 : memref<128x256xf32, #tpu.memory_space<vmem>>)
    %parallel_loop3A_80 = arith.constant 0 : i32
    %parallel_loop3A_81 = arith.constant 16 : i32
    %parallel_loop3A_82 = arith.constant 1 : i32
    scf.for %parallel_loop3A_151 = %parallel_loop3A_80 to %parallel_loop3A_81 step %parallel_loop3A_82  : i32 {
      %parallel_loop3A_152 = arith.constant 8 : i32
      %parallel_loop3A_153 = arith.muli %parallel_loop3A_151, %parallel_loop3A_152 : i32
      %parallel_loop3A_154 = arith.constant 0 : i32
      %parallel_loop3A_155 = arith.constant 16 : i32
      %parallel_loop3A_156 = arith.constant 1 : i32
      scf.for %parallel_loop3A_157 = %parallel_loop3A_154 to %parallel_loop3A_155 step %parallel_loop3A_156  : i32 {
        %parallel_loop3A_158 = arith.constant 16 : i32
        %parallel_loop3A_159 = arith.muli %parallel_loop3A_157, %parallel_loop3A_158 : i32
        %parallel_loop3A_160 = arith.constant 0 : i32
        %parallel_loop3A_161 = arith.addi %parallel_loop3A_153, %parallel_loop3A_160 : i32
        %parallel_loop3A_162 = arith.index_cast %parallel_loop3A_161 : i32 to index
        %parallel_loop3A_163 = arith.index_cast %parallel_loop3A_159 : i32 to index
        %parallel_loop3A_164 = tpu.vector_load %arg8[%parallel_loop3A_162, %parallel_loop3A_163] {strides = array<i32>} : memref<128x256xf32, #tpu.memory_space<vmem>>, vector<1x16xf32>,
        %parallel_loop3A_165 = vector.shape_cast %parallel_loop3A_164 : vector<1x16xf32> to vector<16xf32>
        %parallel_loop3A_166 = arith.mulf %parallel_loop3A_165, %get3A_6 : vector<16xf32>
        %parallel_loop3A_167 = arith.constant 1 : i32
        %parallel_loop3A_168 = arith.addi %parallel_loop3A_153, %parallel_loop3A_167 : i32
        %parallel_loop3A_169 = arith.index_cast %parallel_loop3A_168 : i32 to index
        %parallel_loop3A_170 = arith.index_cast %parallel_loop3A_159 : i32 to index
        %parallel_loop3A_171 = tpu.vector_load %arg8[%parallel_loop3A_169, %parallel_loop3A_170] {strides = array<i32>} : memref<128x256xf32, #tpu.memory_space<vmem>>, vector<1x16xf32>,
        %parallel_loop3A_172 = vector.shape_cast %parallel_loop3A_171 : vector<1x16xf32> to vector<16xf32>
        %parallel_loop3A_173 = arith.mulf %parallel_loop3A_172, %get3A_9 : vector<16xf32>
        %parallel_loop3A_174 = arith.constant 2 : i32
        %parallel_loop3A_175 = arith.addi %parallel_loop3A_153, %parallel_loop3A_174 : i32
        %parallel_loop3A_176 = arith.index_cast %parallel_loop3A_175 : i32 to index
        %parallel_loop3A_177 = arith.index_cast %parallel_loop3A_159 : i32 to index
        %parallel_loop3A_178 = tpu.vector_load %arg8[%parallel_loop3A_176, %parallel_loop3A_177] {strides = array<i32>} : memref<128x256xf32, #tpu.memory_space<vmem>>, vector<1x16xf32>,
        %parallel_loop3A_179 = vector.shape_cast %parallel_loop3A_178 : vector<1x16xf32> to vector<16xf32>
        %parallel_loop3A_180 = arith.mulf %parallel_loop3A_179, %get3A_12 : vector<16xf32>
        %parallel_loop3A_181 = arith.constant 3 : i32
        %parallel_loop3A_182 = arith.addi %parallel_loop3A_153, %parallel_loop3A_181 : i32
        %parallel_loop3A_183 = arith.index_cast %parallel_loop3A_182 : i32 to index
        %parallel_loop3A_184 = arith.index_cast %parallel_loop3A_159 : i32 to index
        %parallel_loop3A_185 = tpu.vector_load %arg8[%parallel_loop3A_183, %parallel_loop3A_184] {strides = array<i32>} : memref<128x256xf32, #tpu.memory_space<vmem>>, vector<1x16xf32>,
        %parallel_loop3A_186 = vector.shape_cast %parallel_loop3A_185 : vector<1x16xf32> to vector<16xf32>
        %parallel_loop3A_187 = arith.mulf %parallel_loop3A_186, %get3A_15 : vector<16xf32>
        %parallel_loop3A_188 = arith.constant 4 : i32
        %parallel_loop3A_189 = arith.addi %parallel_loop3A_153, %parallel_loop3A_188 : i32
        %parallel_loop3A_190 = arith.index_cast %parallel_loop3A_189 : i32 to index
        %parallel_loop3A_191 = arith.index_cast %parallel_loop3A_159 : i32 to index
        %parallel_loop3A_192 = tpu.vector_load %arg8[%parallel_loop3A_190, %parallel_loop3A_191] {strides = array<i32>} : memref<128x256xf32, #tpu.memory_space<vmem>>, vector<1x16xf32>,
        %parallel_loop3A_193 = vector.shape_cast %parallel_loop3A_192 : vector<1x16xf32> to vector<16xf32>
        %parallel_loop3A_194 = arith.mulf %parallel_loop3A_193, %get3A_18 : vector<16xf32>
        %parallel_loop3A_195 = arith.constant 5 : i32
        %parallel_loop3A_196 = arith.addi %parallel_loop3A_153, %parallel_loop3A_195 : i32
        %parallel_loop3A_197 = arith.index_cast %parallel_loop3A_196 : i32 to index
        %parallel_loop3A_198 = arith.index_cast %parallel_loop3A_159 : i32 to index
        %parallel_loop3A_199 = tpu.vector_load %arg8[%parallel_loop3A_197, %parallel_loop3A_198] {strides = array<i32>} : memref<128x256xf32, #tpu.memory_space<vmem>>, vector<1x16xf32>,
        %parallel_loop3A_200 = vector.shape_cast %parallel_loop3A_199 : vector<1x16xf32> to vector<16xf32>
        %parallel_loop3A_201 = arith.mulf %parallel_loop3A_200, %get3A_21 : vector<16xf32>
        %parallel_loop3A_202 = arith.constant 6 : i32
        %parallel_loop3A_203 = arith.addi %parallel_loop3A_153, %parallel_loop3A_202 : i32
        %parallel_loop3A_204 = arith.index_cast %parallel_loop3A_203 : i32 to index
        %parallel_loop3A_205 = arith.index_cast %parallel_loop3A_159 : i32 to index
        %parallel_loop3A_206 = tpu.vector_load %arg8[%parallel_loop3A_204, %parallel_loop3A_205] {strides = array<i32>} : memref<128x256xf32, #tpu.memory_space<vmem>>, vector<1x16xf32>,
        %parallel_loop3A_207 = vector.shape_cast %parallel_loop3A_206 : vector<1x16xf32> to vector<16xf32>
        %parallel_loop3A_208 = arith.mulf %parallel_loop3A_207, %get3A_24 : vector<16xf32>
        %parallel_loop3A_209 = arith.constant 7 : i32
        %parallel_loop3A_210 = arith.addi %parallel_loop3A_153, %parallel_loop3A_209 : i32
        %parallel_loop3A_211 = arith.index_cast %parallel_loop3A_210 : i32 to index
        %parallel_loop3A_212 = arith.index_cast %parallel_loop3A_159 : i32 to index
        %parallel_loop3A_213 = tpu.vector_load %arg8[%parallel_loop3A_211, %parallel_loop3A_212] {strides = array<i32>} : memref<128x256xf32, #tpu.memory_space<vmem>>, vector<1x16xf32>,
        %parallel_loop3A_214 = vector.shape_cast %parallel_loop3A_213 : vector<1x16xf32> to vector<16xf32>
        %parallel_loop3A_215 = arith.mulf %parallel_loop3A_214, %get3A_27 : vector<16xf32>
        %parallel_loop3A_216 = arith.addf %parallel_loop3A_166, %parallel_loop3A_173 : vector<16xf32>
        %parallel_loop3A_217 = arith.addf %parallel_loop3A_180, %parallel_loop3A_187 : vector<16xf32>
        %parallel_loop3A_218 = arith.addf %parallel_loop3A_194, %parallel_loop3A_201 : vector<16xf32>
        %parallel_loop3A_219 = arith.addf %parallel_loop3A_208, %parallel_loop3A_215 : vector<16xf32>
        %parallel_loop3A_220 = arith.addf %parallel_loop3A_216, %parallel_loop3A_217 : vector<16xf32>
        %parallel_loop3A_221 = arith.addf %parallel_loop3A_218, %parallel_loop3A_219 : vector<16xf32>
        %parallel_loop3A_222 = arith.addf %parallel_loop3A_220, %parallel_loop3A_221 : vector<16xf32>
        %parallel_loop3A_223 = arith.index_cast %parallel_loop3A_151 : i32 to index
        %parallel_loop3A_224 = arith.index_cast %parallel_loop3A_159 : i32 to index
        %parallel_loop3A_225 = tpu.vector_load %arg10[%parallel_loop3A_223, %parallel_loop3A_224] {strides = array<i32>} : memref<16x256xf32, #tpu.memory_space<vmem>>, vector<1x16xf32>,
        %parallel_loop3A_226 = vector.shape_cast %parallel_loop3A_225 : vector<1x16xf32> to vector<16xf32>
        %parallel_loop3A_227 = vector.shape_cast %parallel_loop3A_222 : vector<16xf32> to vector<1x16xf32>
        tpu.vector_store %arg10[%parallel_loop3A_223, %parallel_loop3A_224], %parallel_loop3A_227 {strides = array<i32>} : memref<16x256xf32, #tpu.memory_space<vmem>>, vector<1x16xf32>,
      } {sc.loop_unroll_factor = 2 : i64, sc.parallel_access}
    } {sc.loop_unroll_factor = 1 : i64, sc.parallel_access}
    %add3A_83 = arith.constant 16 : i32
    %add3A_84 = arith.addi %mul3A_2, %add3A_83 : i32
    %dma_start3A_85 = arith.constant 0 : i32
    %dma_start3A_86 = tpu.memref_slice %arg5[%add3A_84, %dma_start3A_85] : memref<204800x256xf32, #tpu.memory_space<hbm>> -> memref<16x256xf32, #tpu.memory_space<hbm>>
    %dma_start3A_87 = arith.constant 0 : i32
    %dma_start3A_88 = tpu.memref_slice %arg5[%add3A_84, %dma_start3A_87] : memref<204800x256xf32, #tpu.memory_space<hbm>> -> memref<16x256xf32, #tpu.memory_space<hbm>>
    tpu.enqueue_dma source(%arg10 : memref<16x256xf32, #tpu.memory_space<vmem>>) target(%dma_start3A_88 : memref<16x256xf32, #tpu.memory_space<hbm>>) target_semaphore(%arg15 : memref<!tpu.dma_semaphore, #tpu.memory_space<semaphore_mem>>)
    %dma_start3A_89 = arith.constant 384 : i32
    %dma_start3A_90 = tpu.memref_slice %arg6[%dma_start3A_89] : memref<51200xi32, #tpu.memory_space<vmem>> -> memref<128xi32, #tpu.memory_space<vmem>>
    %dma_start3A_91 = arith.constant 0 : i32
    %dma_start3A_92 = arith.constant 0 : i32
    %dma_start3A_93 = tpu.memref_slice %arg2[%dma_start3A_91, %dma_start3A_92] : memref<16384x256xf32, #tpu.memory_space<hbm>> -> memref<16384x256xf32, #tpu.memory_space<hbm>>
    tpu.enqueue_indirect_dma source(%dma_start3A_93 : memref<16384x256xf32, #tpu.memory_space<hbm>>) target(%arg8 : memref<128x256xf32, #tpu.memory_space<vmem>>) offsets(%dma_start3A_90 : memref<128xi32, #tpu.memory_space<vmem>>) semaphore(%arg13 : memref<!tpu.dma_semaphore, #tpu.memory_space<semaphore_mem>>)
    %scan3A = arith.constant 0 : i32
    %scan3A_94 = arith.constant 1 : i32
    %scan3A_95 = arith.constant 198 : i32
    %scan3A_96 = arith.addi %scan3A_94, %scan3A_95 : i32
    %scan3A_97 = arith.constant 1 : i32
    scf.for %scan3A_151 = %scan3A_94 to %scan3A_96 step %scan3A_97  : i32 {
      %mul3A_152 = arith.constant 2 : i32
      %mul3A_153 = arith.muli %mul3A_152, %scan3A_151 : i32
      %mul3A_154 = arith.constant 128 : i32
      %mul3A_155 = arith.muli %mul3A_153, %mul3A_154 : i32
      %dma_wait3A_156 = tpu.memref_slice %arg6[%mul3A_155] : memref<51200xi32, #tpu.memory_space<vmem>> -> memref<128xi32, #tpu.memory_space<vmem>>
      %dma_wait3A_157 = arith.constant 0 : i32
      %dma_wait3A_158 = arith.constant 0 : i32
      %dma_wait3A_159 = tpu.memref_slice %arg2[%dma_wait3A_157, %dma_wait3A_158] : memref<16384x256xf32, #tpu.memory_space<hbm>> -> memref<16384x256xf32, #tpu.memory_space<hbm>>
      tpu.wait_indirect_dma semaphore(%arg12 : memref<!tpu.dma_semaphore, #tpu.memory_space<semaphore_mem>>) src(%dma_wait3A_159 : memref<16384x256xf32, #tpu.memory_space<hbm>>) dst(%arg7 : memref<128x256xf32, #tpu.memory_space<vmem>>)
      %sub3A = arith.constant 2 : i32
      %sub3A_160 = arith.subi %mul3A_153, %sub3A : i32
      %mul3A_161 = arith.constant 16 : i32
      %mul3A_162 = arith.muli %sub3A_160, %mul3A_161 : i32
      %add3A_163 = arith.addi %mul3A_2, %mul3A_162 : i32
      %dma_wait3A_164 = arith.constant 0 : i32
      %dma_wait3A_165 = tpu.memref_slice %arg5[%add3A_163, %dma_wait3A_164] : memref<204800x256xf32, #tpu.memory_space<hbm>> -> memref<16x256xf32, #tpu.memory_space<hbm>>
      %dma_wait3A_166 = arith.constant 0 : i32
      %dma_wait3A_167 = tpu.memref_slice %arg5[%add3A_163, %dma_wait3A_166] : memref<204800x256xf32, #tpu.memory_space<hbm>> -> memref<16x256xf32, #tpu.memory_space<hbm>>
      tpu.wait_dma2 semaphore(%arg14 : memref<!tpu.dma_semaphore, #tpu.memory_space<semaphore_mem>>) src(%arg9 : memref<16x256xf32, #tpu.memory_space<vmem>>) dst(%dma_wait3A_167 : memref<16x256xf32, #tpu.memory_space<hbm>>)
      %parallel_loop3A_168 = arith.constant 0 : i32
      %parallel_loop3A_169 = arith.constant 16 : i32
      %parallel_loop3A_170 = arith.constant 1 : i32
      scf.for %parallel_loop3A_221 = %parallel_loop3A_168 to %parallel_loop3A_169 step %parallel_loop3A_170  : i32 {
        %parallel_loop3A_222 = arith.constant 8 : i32
        %parallel_loop3A_223 = arith.muli %parallel_loop3A_221, %parallel_loop3A_222 : i32
        %parallel_loop3A_224 = arith.constant 0 : i32
        %parallel_loop3A_225 = arith.constant 16 : i32
        %parallel_loop3A_226 = arith.constant 1 : i32
        scf.for %parallel_loop3A_227 = %parallel_loop3A_224 to %parallel_loop3A_225 step %parallel_loop3A_226  : i32 {
          %parallel_loop3A_228 = arith.constant 16 : i32
          %parallel_loop3A_229 = arith.muli %parallel_loop3A_227, %parallel_loop3A_228 : i32
          %parallel_loop3A_230 = arith.constant 0 : i32
          %parallel_loop3A_231 = arith.addi %parallel_loop3A_223, %parallel_loop3A_230 : i32
          %parallel_loop3A_232 = arith.index_cast %parallel_loop3A_231 : i32 to index
          %parallel_loop3A_233 = arith.index_cast %parallel_loop3A_229 : i32 to index
          %parallel_loop3A_234 = tpu.vector_load %arg7[%parallel_loop3A_232, %parallel_loop3A_233] {strides = array<i32>} : memref<128x256xf32, #tpu.memory_space<vmem>>, vector<1x16xf32>,
          %parallel_loop3A_235 = vector.shape_cast %parallel_loop3A_234 : vector<1x16xf32> to vector<16xf32>
          %parallel_loop3A_236 = arith.mulf %parallel_loop3A_235, %get3A_6 : vector<16xf32>
          %parallel_loop3A_237 = arith.constant 1 : i32
          %parallel_loop3A_238 = arith.addi %parallel_loop3A_223, %parallel_loop3A_237 : i32
          %parallel_loop3A_239 = arith.index_cast %parallel_loop3A_238 : i32 to index
          %parallel_loop3A_240 = arith.index_cast %parallel_loop3A_229 : i32 to index
          %parallel_loop3A_241 = tpu.vector_load %arg7[%parallel_loop3A_239, %parallel_loop3A_240] {strides = array<i32>} : memref<128x256xf32, #tpu.memory_space<vmem>>, vector<1x16xf32>,
          %parallel_loop3A_242 = vector.shape_cast %parallel_loop3A_241 : vector<1x16xf32> to vector<16xf32>
          %parallel_loop3A_243 = arith.mulf %parallel_loop3A_242, %get3A_9 : vector<16xf32>
          %parallel_loop3A_244 = arith.constant 2 : i32
          %parallel_loop3A_245 = arith.addi %parallel_loop3A_223, %parallel_loop3A_244 : i32
          %parallel_loop3A_246 = arith.index_cast %parallel_loop3A_245 : i32 to index
          %parallel_loop3A_247 = arith.index_cast %parallel_loop3A_229 : i32 to index
          %parallel_loop3A_248 = tpu.vector_load %arg7[%parallel_loop3A_246, %parallel_loop3A_247] {strides = array<i32>} : memref<128x256xf32, #tpu.memory_space<vmem>>, vector<1x16xf32>,
          %parallel_loop3A_249 = vector.shape_cast %parallel_loop3A_248 : vector<1x16xf32> to vector<16xf32>
          %parallel_loop3A_250 = arith.mulf %parallel_loop3A_249, %get3A_12 : vector<16xf32>
          %parallel_loop3A_251 = arith.constant 3 : i32
          %parallel_loop3A_252 = arith.addi %parallel_loop3A_223, %parallel_loop3A_251 : i32
          %parallel_loop3A_253 = arith.index_cast %parallel_loop3A_252 : i32 to index
          %parallel_loop3A_254 = arith.index_cast %parallel_loop3A_229 : i32 to index
          %parallel_loop3A_255 = tpu.vector_load %arg7[%parallel_loop3A_253, %parallel_loop3A_254] {strides = array<i32>} : memref<128x256xf32, #tpu.memory_space<vmem>>, vector<1x16xf32>,
          %parallel_loop3A_256 = vector.shape_cast %parallel_loop3A_255 : vector<1x16xf32> to vector<16xf32>
          %parallel_loop3A_257 = arith.mulf %parallel_loop3A_256, %get3A_15 : vector<16xf32>
          %parallel_loop3A_258 = arith.constant 4 : i32
          %parallel_loop3A_259 = arith.addi %parallel_loop3A_223, %parallel_loop3A_258 : i32
          %parallel_loop3A_260 = arith.index_cast %parallel_loop3A_259 : i32 to index
          %parallel_loop3A_261 = arith.index_cast %parallel_loop3A_229 : i32 to index
          %parallel_loop3A_262 = tpu.vector_load %arg7[%parallel_loop3A_260, %parallel_loop3A_261] {strides = array<i32>} : memref<128x256xf32, #tpu.memory_space<vmem>>, vector<1x16xf32>,
          %parallel_loop3A_263 = vector.shape_cast %parallel_loop3A_262 : vector<1x16xf32> to vector<16xf32>
          %parallel_loop3A_264 = arith.mulf %parallel_loop3A_263, %get3A_18 : vector<16xf32>
          %parallel_loop3A_265 = arith.constant 5 : i32
          %parallel_loop3A_266 = arith.addi %parallel_loop3A_223, %parallel_loop3A_265 : i32
          %parallel_loop3A_267 = arith.index_cast %parallel_loop3A_266 : i32 to index
          %parallel_loop3A_268 = arith.index_cast %parallel_loop3A_229 : i32 to index
          %parallel_loop3A_269 = tpu.vector_load %arg7[%parallel_loop3A_267, %parallel_loop3A_268] {strides = array<i32>} : memref<128x256xf32, #tpu.memory_space<vmem>>, vector<1x16xf32>,
          %parallel_loop3A_270 = vector.shape_cast %parallel_loop3A_269 : vector<1x16xf32> to vector<16xf32>
          %parallel_loop3A_271 = arith.mulf %parallel_loop3A_270, %get3A_21 : vector<16xf32>
          %parallel_loop3A_272 = arith.constant 6 : i32
          %parallel_loop3A_273 = arith.addi %parallel_loop3A_223, %parallel_loop3A_272 : i32
          %parallel_loop3A_274 = arith.index_cast %parallel_loop3A_273 : i32 to index
          %parallel_loop3A_275 = arith.index_cast %parallel_loop3A_229 : i32 to index
          %parallel_loop3A_276 = tpu.vector_load %arg7[%parallel_loop3A_274, %parallel_loop3A_275] {strides = array<i32>} : memref<128x256xf32, #tpu.memory_space<vmem>>, vector<1x16xf32>,
          %parallel_loop3A_277 = vector.shape_cast %parallel_loop3A_276 : vector<1x16xf32> to vector<16xf32>
          %parallel_loop3A_278 = arith.mulf %parallel_loop3A_277, %get3A_24 : vector<16xf32>
          %parallel_loop3A_279 = arith.constant 7 : i32
          %parallel_loop3A_280 = arith.addi %parallel_loop3A_223, %parallel_loop3A_279 : i32
          %parallel_loop3A_281 = arith.index_cast %parallel_loop3A_280 : i32 to index
          %parallel_loop3A_282 = arith.index_cast %parallel_loop3A_229 : i32 to index
          %parallel_loop3A_283 = tpu.vector_load %arg7[%parallel_loop3A_281, %parallel_loop3A_282] {strides = array<i32>} : memref<128x256xf32, #tpu.memory_space<vmem>>, vector<1x16xf32>,
          %parallel_loop3A_284 = vector.shape_cast %parallel_loop3A_283 : vector<1x16xf32> to vector<16xf32>
          %parallel_loop3A_285 = arith.mulf %parallel_loop3A_284, %get3A_27 : vector<16xf32>
          %parallel_loop3A_286 = arith.addf %parallel_loop3A_236, %parallel_loop3A_243 : vector<16xf32>
          %parallel_loop3A_287 = arith.addf %parallel_loop3A_250, %parallel_loop3A_257 : vector<16xf32>
          %parallel_loop3A_288 = arith.addf %parallel_loop3A_264, %parallel_loop3A_271 : vector<16xf32>
          %parallel_loop3A_289 = arith.addf %parallel_loop3A_278, %parallel_loop3A_285 : vector<16xf32>
          %parallel_loop3A_290 = arith.addf %parallel_loop3A_286, %parallel_loop3A_287 : vector<16xf32>
          %parallel_loop3A_291 = arith.addf %parallel_loop3A_288, %parallel_loop3A_289 : vector<16xf32>
          %parallel_loop3A_292 = arith.addf %parallel_loop3A_290, %parallel_loop3A_291 : vector<16xf32>
          %parallel_loop3A_293 = arith.index_cast %parallel_loop3A_221 : i32 to index
          %parallel_loop3A_294 = arith.index_cast %parallel_loop3A_229 : i32 to index
          %parallel_loop3A_295 = tpu.vector_load %arg9[%parallel_loop3A_293, %parallel_loop3A_294] {strides = array<i32>} : memref<16x256xf32, #tpu.memory_space<vmem>>, vector<1x16xf32>,
          %parallel_loop3A_296 = vector.shape_cast %parallel_loop3A_295 : vector<1x16xf32> to vector<16xf32>
          %parallel_loop3A_297 = vector.shape_cast %parallel_loop3A_292 : vector<16xf32> to vector<1x16xf32>
          tpu.vector_store %arg9[%parallel_loop3A_293, %parallel_loop3A_294], %parallel_loop3A_297 {strides = array<i32>} : memref<16x256xf32, #tpu.memory_space<vmem>>, vector<1x16xf32>,
        } {sc.loop_unroll_factor = 2 : i64, sc.parallel_access}
      } {sc.loop_unroll_factor = 1 : i64, sc.parallel_access}
      %mul3A_171 = arith.constant 16 : i32
      %mul3A_172 = arith.muli %mul3A_153, %mul3A_171 : i32
      %add3A_173 = arith.addi %mul3A_2, %mul3A_172 : i32
      %dma_start3A_174 = arith.constant 0 : i32
      %dma_start3A_175 = tpu.memref_slice %arg5[%add3A_173, %dma_start3A_174] : memref<204800x256xf32, #tpu.memory_space<hbm>> -> memref<16x256xf32, #tpu.memory_space<hbm>>
      %dma_start3A_176 = arith.constant 0 : i32
      %dma_start3A_177 = tpu.memref_slice %arg5[%add3A_173, %dma_start3A_176] : memref<204800x256xf32, #tpu.memory_space<hbm>> -> memref<16x256xf32, #tpu.memory_space<hbm>>
      tpu.enqueue_dma source(%arg9 : memref<16x256xf32, #tpu.memory_space<vmem>>) target(%dma_start3A_177 : memref<16x256xf32, #tpu.memory_space<hbm>>) target_semaphore(%arg14 : memref<!tpu.dma_semaphore, #tpu.memory_space<semaphore_mem>>)
      %add3A_178 = arith.constant 2 : i32
      %add3A_179 = arith.addi %mul3A_153, %add3A_178 : i32
      %mul3A_180 = arith.constant 128 : i32
      %mul3A_181 = arith.muli %add3A_179, %mul3A_180 : i32
      %dma_start3A_182 = tpu.memref_slice %arg6[%mul3A_181] : memref<51200xi32, #tpu.memory_space<vmem>> -> memref<128xi32, #tpu.memory_space<vmem>>
      %dma_start3A_183 = arith.constant 0 : i32
      %dma_start3A_184 = arith.constant 0 : i32
      %dma_start3A_185 = tpu.memref_slice %arg2[%dma_start3A_183, %dma_start3A_184] : memref<16384x256xf32, #tpu.memory_space<hbm>> -> memref<16384x256xf32, #tpu.memory_space<hbm>>
      tpu.enqueue_indirect_dma source(%dma_start3A_185 : memref<16384x256xf32, #tpu.memory_space<hbm>>) target(%arg7 : memref<128x256xf32, #tpu.memory_space<vmem>>) offsets(%dma_start3A_182 : memref<128xi32, #tpu.memory_space<vmem>>) semaphore(%arg12 : memref<!tpu.dma_semaphore, #tpu.memory_space<semaphore_mem>>)
      %add3A_186 = arith.constant 1 : i32
      %add3A_187 = arith.addi %mul3A_153, %add3A_186 : i32
      %mul3A_188 = arith.constant 128 : i32
      %mul3A_189 = arith.muli %add3A_187, %mul3A_188 : i32
      %dma_wait3A_190 = tpu.memref_slice %arg6[%mul3A_189] : memref<51200xi32, #tpu.memory_space<vmem>> -> memref<128xi32, #tpu.memory_space<vmem>>
      %dma_wait3A_191 = arith.constant 0 : i32
      %dma_wait3A_192 = arith.constant 0 : i32
      %dma_wait3A_193 = tpu.memref_slice %arg2[%dma_wait3A_191, %dma_wait3A_192] : memref<16384x256xf32, #tpu.memory_space<hbm>> -> memref<16384x256xf32, #tpu.memory_space<hbm>>
      tpu.wait_indirect_dma semaphore(%arg13 : memref<!tpu.dma_semaphore, #tpu.memory_space<semaphore_mem>>) src(%dma_wait3A_193 : memref<16384x256xf32, #tpu.memory_space<hbm>>) dst(%arg8 : memref<128x256xf32, #tpu.memory_space<vmem>>)
      %sub3A_194 = arith.constant 2 : i32
      %sub3A_195 = arith.subi %add3A_187, %sub3A_194 : i32
      %mul3A_196 = arith.constant 16 : i32
      %mul3A_197 = arith.muli %sub3A_195, %mul3A_196 : i32
      %add3A_198 = arith.addi %mul3A_2, %mul3A_197 : i32
      %dma_wait3A_199 = arith.constant 0 : i32
      %dma_wait3A_200 = tpu.memref_slice %arg5[%add3A_198, %dma_wait3A_199] : memref<204800x256xf32, #tpu.memory_space<hbm>> -> memref<16x256xf32, #tpu.memory_space<hbm>>
      %dma_wait3A_201 = arith.constant 0 : i32
      %dma_wait3A_202 = tpu.memref_slice %arg5[%add3A_198, %dma_wait3A_201] : memref<204800x256xf32, #tpu.memory_space<hbm>> -> memref<16x256xf32, #tpu.memory_space<hbm>>
      tpu.wait_dma2 semaphore(%arg15 : memref<!tpu.dma_semaphore, #tpu.memory_space<semaphore_mem>>) src(%arg10 : memref<16x256xf32, #tpu.memory_space<vmem>>) dst(%dma_wait3A_202 : memref<16x256xf32, #tpu.memory_space<hbm>>)
      %parallel_loop3A_203 = arith.constant 0 : i32
      %parallel_loop3A_204 = arith.constant 16 : i32
      %parallel_loop3A_205 = arith.constant 1 : i32
      scf.for %parallel_loop3A_221 = %parallel_loop3A_203 to %parallel_loop3A_204 step %parallel_loop3A_205  : i32 {
        %parallel_loop3A_222 = arith.constant 8 : i32
        %parallel_loop3A_223 = arith.muli %parallel_loop3A_221, %parallel_loop3A_222 : i32
        %parallel_loop3A_224 = arith.constant 0 : i32
        %parallel_loop3A_225 = arith.constant 16 : i32
        %parallel_loop3A_226 = arith.constant 1 : i32
        scf.for %parallel_loop3A_227 = %parallel_loop3A_224 to %parallel_loop3A_225 step %parallel_loop3A_226  : i32 {
          %parallel_loop3A_228 = arith.constant 16 : i32
          %parallel_loop3A_229 = arith.muli %parallel_loop3A_227, %parallel_loop3A_228 : i32
          %parallel_loop3A_230 = arith.constant 0 : i32
          %parallel_loop3A_231 = arith.addi %parallel_loop3A_223, %parallel_loop3A_230 : i32
          %parallel_loop3A_232 = arith.index_cast %parallel_loop3A_231 : i32 to index
          %parallel_loop3A_233 = arith.index_cast %parallel_loop3A_229 : i32 to index
          %parallel_loop3A_234 = tpu.vector_load %arg8[%parallel_loop3A_232, %parallel_loop3A_233] {strides = array<i32>} : memref<128x256xf32, #tpu.memory_space<vmem>>, vector<1x16xf32>,
          %parallel_loop3A_235 = vector.shape_cast %parallel_loop3A_234 : vector<1x16xf32> to vector<16xf32>
          %parallel_loop3A_236 = arith.mulf %parallel_loop3A_235, %get3A_6 : vector<16xf32>
          %parallel_loop3A_237 = arith.constant 1 : i32
          %parallel_loop3A_238 = arith.addi %parallel_loop3A_223, %parallel_loop3A_237 : i32
          %parallel_loop3A_239 = arith.index_cast %parallel_loop3A_238 : i32 to index
          %parallel_loop3A_240 = arith.index_cast %parallel_loop3A_229 : i32 to index
          %parallel_loop3A_241 = tpu.vector_load %arg8[%parallel_loop3A_239, %parallel_loop3A_240] {strides = array<i32>} : memref<128x256xf32, #tpu.memory_space<vmem>>, vector<1x16xf32>,
          %parallel_loop3A_242 = vector.shape_cast %parallel_loop3A_241 : vector<1x16xf32> to vector<16xf32>
          %parallel_loop3A_243 = arith.mulf %parallel_loop3A_242, %get3A_9 : vector<16xf32>
          %parallel_loop3A_244 = arith.constant 2 : i32
          %parallel_loop3A_245 = arith.addi %parallel_loop3A_223, %parallel_loop3A_244 : i32
          %parallel_loop3A_246 = arith.index_cast %parallel_loop3A_245 : i32 to index
          %parallel_loop3A_247 = arith.index_cast %parallel_loop3A_229 : i32 to index
          %parallel_loop3A_248 = tpu.vector_load %arg8[%parallel_loop3A_246, %parallel_loop3A_247] {strides = array<i32>} : memref<128x256xf32, #tpu.memory_space<vmem>>, vector<1x16xf32>,
          %parallel_loop3A_249 = vector.shape_cast %parallel_loop3A_248 : vector<1x16xf32> to vector<16xf32>
          %parallel_loop3A_250 = arith.mulf %parallel_loop3A_249, %get3A_12 : vector<16xf32>
          %parallel_loop3A_251 = arith.constant 3 : i32
          %parallel_loop3A_252 = arith.addi %parallel_loop3A_223, %parallel_loop3A_251 : i32
          %parallel_loop3A_253 = arith.index_cast %parallel_loop3A_252 : i32 to index
          %parallel_loop3A_254 = arith.index_cast %parallel_loop3A_229 : i32 to index
          %parallel_loop3A_255 = tpu.vector_load %arg8[%parallel_loop3A_253, %parallel_loop3A_254] {strides = array<i32>} : memref<128x256xf32, #tpu.memory_space<vmem>>, vector<1x16xf32>,
          %parallel_loop3A_256 = vector.shape_cast %parallel_loop3A_255 : vector<1x16xf32> to vector<16xf32>
          %parallel_loop3A_257 = arith.mulf %parallel_loop3A_256, %get3A_15 : vector<16xf32>
          %parallel_loop3A_258 = arith.constant 4 : i32
          %parallel_loop3A_259 = arith.addi %parallel_loop3A_223, %parallel_loop3A_258 : i32
          %parallel_loop3A_260 = arith.index_cast %parallel_loop3A_259 : i32 to index
          %parallel_loop3A_261 = arith.index_cast %parallel_loop3A_229 : i32 to index
          %parallel_loop3A_262 = tpu.vector_load %arg8[%parallel_loop3A_260, %parallel_loop3A_261] {strides = array<i32>} : memref<128x256xf32, #tpu.memory_space<vmem>>, vector<1x16xf32>,
          %parallel_loop3A_263 = vector.shape_cast %parallel_loop3A_262 : vector<1x16xf32> to vector<16xf32>
          %parallel_loop3A_264 = arith.mulf %parallel_loop3A_263, %get3A_18 : vector<16xf32>
          %parallel_loop3A_265 = arith.constant 5 : i32
          %parallel_loop3A_266 = arith.addi %parallel_loop3A_223, %parallel_loop3A_265 : i32
          %parallel_loop3A_267 = arith.index_cast %parallel_loop3A_266 : i32 to index
          %parallel_loop3A_268 = arith.index_cast %parallel_loop3A_229 : i32 to index
          %parallel_loop3A_269 = tpu.vector_load %arg8[%parallel_loop3A_267, %parallel_loop3A_268] {strides = array<i32>} : memref<128x256xf32, #tpu.memory_space<vmem>>, vector<1x16xf32>,
          %parallel_loop3A_270 = vector.shape_cast %parallel_loop3A_269 : vector<1x16xf32> to vector<16xf32>
          %parallel_loop3A_271 = arith.mulf %parallel_loop3A_270, %get3A_21 : vector<16xf32>
          %parallel_loop3A_272 = arith.constant 6 : i32
          %parallel_loop3A_273 = arith.addi %parallel_loop3A_223, %parallel_loop3A_272 : i32
          %parallel_loop3A_274 = arith.index_cast %parallel_loop3A_273 : i32 to index
          %parallel_loop3A_275 = arith.index_cast %parallel_loop3A_229 : i32 to index
          %parallel_loop3A_276 = tpu.vector_load %arg8[%parallel_loop3A_274, %parallel_loop3A_275] {strides = array<i32>} : memref<128x256xf32, #tpu.memory_space<vmem>>, vector<1x16xf32>,
          %parallel_loop3A_277 = vector.shape_cast %parallel_loop3A_276 : vector<1x16xf32> to vector<16xf32>
          %parallel_loop3A_278 = arith.mulf %parallel_loop3A_277, %get3A_24 : vector<16xf32>
          %parallel_loop3A_279 = arith.constant 7 : i32
          %parallel_loop3A_280 = arith.addi %parallel_loop3A_223, %parallel_loop3A_279 : i32
          %parallel_loop3A_281 = arith.index_cast %parallel_loop3A_280 : i32 to index
          %parallel_loop3A_282 = arith.index_cast %parallel_loop3A_229 : i32 to index
          %parallel_loop3A_283 = tpu.vector_load %arg8[%parallel_loop3A_281, %parallel_loop3A_282] {strides = array<i32>} : memref<128x256xf32, #tpu.memory_space<vmem>>, vector<1x16xf32>,
          %parallel_loop3A_284 = vector.shape_cast %parallel_loop3A_283 : vector<1x16xf32> to vector<16xf32>
          %parallel_loop3A_285 = arith.mulf %parallel_loop3A_284, %get3A_27 : vector<16xf32>
          %parallel_loop3A_286 = arith.addf %parallel_loop3A_236, %parallel_loop3A_243 : vector<16xf32>
          %parallel_loop3A_287 = arith.addf %parallel_loop3A_250, %parallel_loop3A_257 : vector<16xf32>
          %parallel_loop3A_288 = arith.addf %parallel_loop3A_264, %parallel_loop3A_271 : vector<16xf32>
          %parallel_loop3A_289 = arith.addf %parallel_loop3A_278, %parallel_loop3A_285 : vector<16xf32>
          %parallel_loop3A_290 = arith.addf %parallel_loop3A_286, %parallel_loop3A_287 : vector<16xf32>
          %parallel_loop3A_291 = arith.addf %parallel_loop3A_288, %parallel_loop3A_289 : vector<16xf32>
          %parallel_loop3A_292 = arith.addf %parallel_loop3A_290, %parallel_loop3A_291 : vector<16xf32>
          %parallel_loop3A_293 = arith.index_cast %parallel_loop3A_221 : i32 to index
          %parallel_loop3A_294 = arith.index_cast %parallel_loop3A_229 : i32 to index
          %parallel_loop3A_295 = tpu.vector_load %arg10[%parallel_loop3A_293, %parallel_loop3A_294] {strides = array<i32>} : memref<16x256xf32, #tpu.memory_space<vmem>>, vector<1x16xf32>,
          %parallel_loop3A_296 = vector.shape_cast %parallel_loop3A_295 : vector<1x16xf32> to vector<16xf32>
          %parallel_loop3A_297 = vector.shape_cast %parallel_loop3A_292 : vector<16xf32> to vector<1x16xf32>
          tpu.vector_store %arg10[%parallel_loop3A_293, %parallel_loop3A_294], %parallel_loop3A_297 {strides = array<i32>} : memref<16x256xf32, #tpu.memory_space<vmem>>, vector<1x16xf32>,
        } {sc.loop_unroll_factor = 2 : i64, sc.parallel_access}
      } {sc.loop_unroll_factor = 1 : i64, sc.parallel_access}
      %mul3A_206 = arith.constant 16 : i32
      %mul3A_207 = arith.muli %add3A_187, %mul3A_206 : i32
      %add3A_208 = arith.addi %mul3A_2, %mul3A_207 : i32
      %dma_start3A_209 = arith.constant 0 : i32
      %dma_start3A_210 = tpu.memref_slice %arg5[%add3A_208, %dma_start3A_209] : memref<204800x256xf32, #tpu.memory_space<hbm>> -> memref<16x256xf32, #tpu.memory_space<hbm>>
      %dma_start3A_211 = arith.constant 0 : i32
      %dma_start3A_212 = tpu.memref_slice %arg5[%add3A_208, %dma_start3A_211] : memref<204800x256xf32, #tpu.memory_space<hbm>> -> memref<16x256xf32, #tpu.memory_space<hbm>>
      tpu.enqueue_dma source(%arg10 : memref<16x256xf32, #tpu.memory_space<vmem>>) target(%dma_start3A_212 : memref<16x256xf32, #tpu.memory_space<hbm>>) target_semaphore(%arg15 : memref<!tpu.dma_semaphore, #tpu.memory_space<semaphore_mem>>)
      %add3A_213 = arith.constant 3 : i32
      %add3A_214 = arith.addi %mul3A_153, %add3A_213 : i32
      %mul3A_215 = arith.constant 128 : i32
      %mul3A_216 = arith.muli %add3A_214, %mul3A_215 : i32
      %dma_start3A_217 = tpu.memref_slice %arg6[%mul3A_216] : memref<51200xi32, #tpu.memory_space<vmem>> -> memref<128xi32, #tpu.memory_space<vmem>>
      %dma_start3A_218 = arith.constant 0 : i32
      %dma_start3A_219 = arith.constant 0 : i32
      %dma_start3A_220 = tpu.memref_slice %arg2[%dma_start3A_218, %dma_start3A_219] : memref<16384x256xf32, #tpu.memory_space<hbm>> -> memref<16384x256xf32, #tpu.memory_space<hbm>>
      tpu.enqueue_indirect_dma source(%dma_start3A_220 : memref<16384x256xf32, #tpu.memory_space<hbm>>) target(%arg8 : memref<128x256xf32, #tpu.memory_space<vmem>>) offsets(%dma_start3A_217 : memref<128xi32, #tpu.memory_space<vmem>>) semaphore(%arg13 : memref<!tpu.dma_semaphore, #tpu.memory_space<semaphore_mem>>)
    }
    %scan3A_98 = arith.constant 198 : i32
    %dma_wait3A_99 = arith.constant 50944 : i32
    %dma_wait3A_100 = tpu.memref_slice %arg6[%dma_wait3A_99] : memref<51200xi32, #tpu.memory_space<vmem>> -> memref<128xi32, #tpu.memory_space<vmem>>
    %dma_wait3A_101 = arith.constant 0 : i32
    %dma_wait3A_102 = arith.constant 0 : i32
    %dma_wait3A_103 = tpu.memref_slice %arg2[%dma_wait3A_101, %dma_wait3A_102] : memref<16384x256xf32, #tpu.memory_space<hbm>> -> memref<16384x256xf32, #tpu.memory_space<hbm>>
    tpu.wait_indirect_dma semaphore(%arg12 : memref<!tpu.dma_semaphore, #tpu.memory_space<semaphore_mem>>) src(%dma_wait3A_103 : memref<16384x256xf32, #tpu.memory_space<hbm>>) dst(%arg7 : memref<128x256xf32, #tpu.memory_space<vmem>>)
    %add3A_104 = arith.constant 6336 : i32
    %add3A_105 = arith.addi %mul3A_2, %add3A_104 : i32
    %dma_wait3A_106 = arith.constant 0 : i32
    %dma_wait3A_107 = tpu.memref_slice %arg5[%add3A_105, %dma_wait3A_106] : memref<204800x256xf32, #tpu.memory_space<hbm>> -> memref<16x256xf32, #tpu.memory_space<hbm>>
    %dma_wait3A_108 = arith.constant 0 : i32
    %dma_wait3A_109 = tpu.memref_slice %arg5[%add3A_105, %dma_wait3A_108] : memref<204800x256xf32, #tpu.memory_space<hbm>> -> memref<16x256xf32, #tpu.memory_space<hbm>>
    tpu.wait_dma2 semaphore(%arg14 : memref<!tpu.dma_semaphore, #tpu.memory_space<semaphore_mem>>) src(%arg9 : memref<16x256xf32, #tpu.memory_space<vmem>>) dst(%dma_wait3A_109 : memref<16x256xf32, #tpu.memory_space<hbm>>)
    %parallel_loop3A_110 = arith.constant 0 : i32
    %parallel_loop3A_111 = arith.constant 16 : i32
    %parallel_loop3A_112 = arith.constant 1 : i32
    scf.for %parallel_loop3A_151 = %parallel_loop3A_110 to %parallel_loop3A_111 step %parallel_loop3A_112  : i32 {
      %parallel_loop3A_152 = arith.constant 8 : i32
      %parallel_loop3A_153 = arith.muli %parallel_loop3A_151, %parallel_loop3A_152 : i32
      %parallel_loop3A_154 = arith.constant 0 : i32
      %parallel_loop3A_155 = arith.constant 16 : i32
      %parallel_loop3A_156 = arith.constant 1 : i32
      scf.for %parallel_loop3A_157 = %parallel_loop3A_154 to %parallel_loop3A_155 step %parallel_loop3A_156  : i32 {
        %parallel_loop3A_158 = arith.constant 16 : i32
        %parallel_loop3A_159 = arith.muli %parallel_loop3A_157, %parallel_loop3A_158 : i32
        %parallel_loop3A_160 = arith.constant 0 : i32
        %parallel_loop3A_161 = arith.addi %parallel_loop3A_153, %parallel_loop3A_160 : i32
        %parallel_loop3A_162 = arith.index_cast %parallel_loop3A_161 : i32 to index
        %parallel_loop3A_163 = arith.index_cast %parallel_loop3A_159 : i32 to index
        %parallel_loop3A_164 = tpu.vector_load %arg7[%parallel_loop3A_162, %parallel_loop3A_163] {strides = array<i32>} : memref<128x256xf32, #tpu.memory_space<vmem>>, vector<1x16xf32>,
        %parallel_loop3A_165 = vector.shape_cast %parallel_loop3A_164 : vector<1x16xf32> to vector<16xf32>
        %parallel_loop3A_166 = arith.mulf %parallel_loop3A_165, %get3A_6 : vector<16xf32>
        %parallel_loop3A_167 = arith.constant 1 : i32
        %parallel_loop3A_168 = arith.addi %parallel_loop3A_153, %parallel_loop3A_167 : i32
        %parallel_loop3A_169 = arith.index_cast %parallel_loop3A_168 : i32 to index
        %parallel_loop3A_170 = arith.index_cast %parallel_loop3A_159 : i32 to index
        %parallel_loop3A_171 = tpu.vector_load %arg7[%parallel_loop3A_169, %parallel_loop3A_170] {strides = array<i32>} : memref<128x256xf32, #tpu.memory_space<vmem>>, vector<1x16xf32>,
        %parallel_loop3A_172 = vector.shape_cast %parallel_loop3A_171 : vector<1x16xf32> to vector<16xf32>
        %parallel_loop3A_173 = arith.mulf %parallel_loop3A_172, %get3A_9 : vector<16xf32>
        %parallel_loop3A_174 = arith.constant 2 : i32
        %parallel_loop3A_175 = arith.addi %parallel_loop3A_153, %parallel_loop3A_174 : i32
        %parallel_loop3A_176 = arith.index_cast %parallel_loop3A_175 : i32 to index
        %parallel_loop3A_177 = arith.index_cast %parallel_loop3A_159 : i32 to index
        %parallel_loop3A_178 = tpu.vector_load %arg7[%parallel_loop3A_176, %parallel_loop3A_177] {strides = array<i32>} : memref<128x256xf32, #tpu.memory_space<vmem>>, vector<1x16xf32>,
        %parallel_loop3A_179 = vector.shape_cast %parallel_loop3A_178 : vector<1x16xf32> to vector<16xf32>
        %parallel_loop3A_180 = arith.mulf %parallel_loop3A_179, %get3A_12 : vector<16xf32>
        %parallel_loop3A_181 = arith.constant 3 : i32
        %parallel_loop3A_182 = arith.addi %parallel_loop3A_153, %parallel_loop3A_181 : i32
        %parallel_loop3A_183 = arith.index_cast %parallel_loop3A_182 : i32 to index
        %parallel_loop3A_184 = arith.index_cast %parallel_loop3A_159 : i32 to index
        %parallel_loop3A_185 = tpu.vector_load %arg7[%parallel_loop3A_183, %parallel_loop3A_184] {strides = array<i32>} : memref<128x256xf32, #tpu.memory_space<vmem>>, vector<1x16xf32>,
        %parallel_loop3A_186 = vector.shape_cast %parallel_loop3A_185 : vector<1x16xf32> to vector<16xf32>
        %parallel_loop3A_187 = arith.mulf %parallel_loop3A_186, %get3A_15 : vector<16xf32>
        %parallel_loop3A_188 = arith.constant 4 : i32
        %parallel_loop3A_189 = arith.addi %parallel_loop3A_153, %parallel_loop3A_188 : i32
        %parallel_loop3A_190 = arith.index_cast %parallel_loop3A_189 : i32 to index
        %parallel_loop3A_191 = arith.index_cast %parallel_loop3A_159 : i32 to index
        %parallel_loop3A_192 = tpu.vector_load %arg7[%parallel_loop3A_190, %parallel_loop3A_191] {strides = array<i32>} : memref<128x256xf32, #tpu.memory_space<vmem>>, vector<1x16xf32>,
        %parallel_loop3A_193 = vector.shape_cast %parallel_loop3A_192 : vector<1x16xf32> to vector<16xf32>
        %parallel_loop3A_194 = arith.mulf %parallel_loop3A_193, %get3A_18 : vector<16xf32>
        %parallel_loop3A_195 = arith.constant 5 : i32
        %parallel_loop3A_196 = arith.addi %parallel_loop3A_153, %parallel_loop3A_195 : i32
        %parallel_loop3A_197 = arith.index_cast %parallel_loop3A_196 : i32 to index
        %parallel_loop3A_198 = arith.index_cast %parallel_loop3A_159 : i32 to index
        %parallel_loop3A_199 = tpu.vector_load %arg7[%parallel_loop3A_197, %parallel_loop3A_198] {strides = array<i32>} : memref<128x256xf32, #tpu.memory_space<vmem>>, vector<1x16xf32>,
        %parallel_loop3A_200 = vector.shape_cast %parallel_loop3A_199 : vector<1x16xf32> to vector<16xf32>
        %parallel_loop3A_201 = arith.mulf %parallel_loop3A_200, %get3A_21 : vector<16xf32>
        %parallel_loop3A_202 = arith.constant 6 : i32
        %parallel_loop3A_203 = arith.addi %parallel_loop3A_153, %parallel_loop3A_202 : i32
        %parallel_loop3A_204 = arith.index_cast %parallel_loop3A_203 : i32 to index
        %parallel_loop3A_205 = arith.index_cast %parallel_loop3A_159 : i32 to index
        %parallel_loop3A_206 = tpu.vector_load %arg7[%parallel_loop3A_204, %parallel_loop3A_205] {strides = array<i32>} : memref<128x256xf32, #tpu.memory_space<vmem>>, vector<1x16xf32>,
        %parallel_loop3A_207 = vector.shape_cast %parallel_loop3A_206 : vector<1x16xf32> to vector<16xf32>
        %parallel_loop3A_208 = arith.mulf %parallel_loop3A_207, %get3A_24 : vector<16xf32>
        %parallel_loop3A_209 = arith.constant 7 : i32
        %parallel_loop3A_210 = arith.addi %parallel_loop3A_153, %parallel_loop3A_209 : i32
        %parallel_loop3A_211 = arith.index_cast %parallel_loop3A_210 : i32 to index
        %parallel_loop3A_212 = arith.index_cast %parallel_loop3A_159 : i32 to index
        %parallel_loop3A_213 = tpu.vector_load %arg7[%parallel_loop3A_211, %parallel_loop3A_212] {strides = array<i32>} : memref<128x256xf32, #tpu.memory_space<vmem>>, vector<1x16xf32>,
        %parallel_loop3A_214 = vector.shape_cast %parallel_loop3A_213 : vector<1x16xf32> to vector<16xf32>
        %parallel_loop3A_215 = arith.mulf %parallel_loop3A_214, %get3A_27 : vector<16xf32>
        %parallel_loop3A_216 = arith.addf %parallel_loop3A_166, %parallel_loop3A_173 : vector<16xf32>
        %parallel_loop3A_217 = arith.addf %parallel_loop3A_180, %parallel_loop3A_187 : vector<16xf32>
        %parallel_loop3A_218 = arith.addf %parallel_loop3A_194, %parallel_loop3A_201 : vector<16xf32>
        %parallel_loop3A_219 = arith.addf %parallel_loop3A_208, %parallel_loop3A_215 : vector<16xf32>
        %parallel_loop3A_220 = arith.addf %parallel_loop3A_216, %parallel_loop3A_217 : vector<16xf32>
        %parallel_loop3A_221 = arith.addf %parallel_loop3A_218, %parallel_loop3A_219 : vector<16xf32>
        %parallel_loop3A_222 = arith.addf %parallel_loop3A_220, %parallel_loop3A_221 : vector<16xf32>
        %parallel_loop3A_223 = arith.index_cast %parallel_loop3A_151 : i32 to index
        %parallel_loop3A_224 = arith.index_cast %parallel_loop3A_159 : i32 to index
        %parallel_loop3A_225 = tpu.vector_load %arg9[%parallel_loop3A_223, %parallel_loop3A_224] {strides = array<i32>} : memref<16x256xf32, #tpu.memory_space<vmem>>, vector<1x16xf32>,
        %parallel_loop3A_226 = vector.shape_cast %parallel_loop3A_225 : vector<1x16xf32> to vector<16xf32>
        %parallel_loop3A_227 = vector.shape_cast %parallel_loop3A_222 : vector<16xf32> to vector<1x16xf32>
        tpu.vector_store %arg9[%parallel_loop3A_223, %parallel_loop3A_224], %parallel_loop3A_227 {strides = array<i32>} : memref<16x256xf32, #tpu.memory_space<vmem>>, vector<1x16xf32>,
      } {sc.loop_unroll_factor = 2 : i64, sc.parallel_access}
    } {sc.loop_unroll_factor = 1 : i64, sc.parallel_access}
    %add3A_113 = arith.constant 6368 : i32
    %add3A_114 = arith.addi %mul3A_2, %add3A_113 : i32
    %dma_start3A_115 = arith.constant 0 : i32
    %dma_start3A_116 = tpu.memref_slice %arg5[%add3A_114, %dma_start3A_115] : memref<204800x256xf32, #tpu.memory_space<hbm>> -> memref<16x256xf32, #tpu.memory_space<hbm>>
    %dma_start3A_117 = arith.constant 0 : i32
    %dma_start3A_118 = tpu.memref_slice %arg5[%add3A_114, %dma_start3A_117] : memref<204800x256xf32, #tpu.memory_space<hbm>> -> memref<16x256xf32, #tpu.memory_space<hbm>>
    tpu.enqueue_dma source(%arg9 : memref<16x256xf32, #tpu.memory_space<vmem>>) target(%dma_start3A_118 : memref<16x256xf32, #tpu.memory_space<hbm>>) target_semaphore(%arg14 : memref<!tpu.dma_semaphore, #tpu.memory_space<semaphore_mem>>)
    %dma_wait3A_119 = arith.constant 51072 : i32
    %dma_wait3A_120 = tpu.memref_slice %arg6[%dma_wait3A_119] : memref<51200xi32, #tpu.memory_space<vmem>> -> memref<128xi32, #tpu.memory_space<vmem>>
    %dma_wait3A_121 = arith.constant 0 : i32
    %dma_wait3A_122 = arith.constant 0 : i32
    %dma_wait3A_123 = tpu.memref_slice %arg2[%dma_wait3A_121, %dma_wait3A_122] : memref<16384x256xf32, #tpu.memory_space<hbm>> -> memref<16384x256xf32, #tpu.memory_space<hbm>>
    tpu.wait_indirect_dma semaphore(%arg13 : memref<!tpu.dma_semaphore, #tpu.memory_space<semaphore_mem>>) src(%dma_wait3A_123 : memref<16384x256xf32, #tpu.memory_space<hbm>>) dst(%arg8 : memref<128x256xf32, #tpu.memory_space<vmem>>)
    %add3A_124 = arith.constant 6352 : i32
    %add3A_125 = arith.addi %mul3A_2, %add3A_124 : i32
    %dma_wait3A_126 = arith.constant 0 : i32
    %dma_wait3A_127 = tpu.memref_slice %arg5[%add3A_125, %dma_wait3A_126] : memref<204800x256xf32, #tpu.memory_space<hbm>> -> memref<16x256xf32, #tpu.memory_space<hbm>>
    %dma_wait3A_128 = arith.constant 0 : i32
    %dma_wait3A_129 = tpu.memref_slice %arg5[%add3A_125, %dma_wait3A_128] : memref<204800x256xf32, #tpu.memory_space<hbm>> -> memref<16x256xf32, #tpu.memory_space<hbm>>
    tpu.wait_dma2 semaphore(%arg15 : memref<!tpu.dma_semaphore, #tpu.memory_space<semaphore_mem>>) src(%arg10 : memref<16x256xf32, #tpu.memory_space<vmem>>) dst(%dma_wait3A_129 : memref<16x256xf32, #tpu.memory_space<hbm>>)
    %parallel_loop3A_130 = arith.constant 0 : i32
    %parallel_loop3A_131 = arith.constant 16 : i32
    %parallel_loop3A_132 = arith.constant 1 : i32
    scf.for %parallel_loop3A_151 = %parallel_loop3A_130 to %parallel_loop3A_131 step %parallel_loop3A_132  : i32 {
      %parallel_loop3A_152 = arith.constant 8 : i32
      %parallel_loop3A_153 = arith.muli %parallel_loop3A_151, %parallel_loop3A_152 : i32
      %parallel_loop3A_154 = arith.constant 0 : i32
      %parallel_loop3A_155 = arith.constant 16 : i32
      %parallel_loop3A_156 = arith.constant 1 : i32
      scf.for %parallel_loop3A_157 = %parallel_loop3A_154 to %parallel_loop3A_155 step %parallel_loop3A_156  : i32 {
        %parallel_loop3A_158 = arith.constant 16 : i32
        %parallel_loop3A_159 = arith.muli %parallel_loop3A_157, %parallel_loop3A_158 : i32
        %parallel_loop3A_160 = arith.constant 0 : i32
        %parallel_loop3A_161 = arith.addi %parallel_loop3A_153, %parallel_loop3A_160 : i32
        %parallel_loop3A_162 = arith.index_cast %parallel_loop3A_161 : i32 to index
        %parallel_loop3A_163 = arith.index_cast %parallel_loop3A_159 : i32 to index
        %parallel_loop3A_164 = tpu.vector_load %arg8[%parallel_loop3A_162, %parallel_loop3A_163] {strides = array<i32>} : memref<128x256xf32, #tpu.memory_space<vmem>>, vector<1x16xf32>,
        %parallel_loop3A_165 = vector.shape_cast %parallel_loop3A_164 : vector<1x16xf32> to vector<16xf32>
        %parallel_loop3A_166 = arith.mulf %parallel_loop3A_165, %get3A_6 : vector<16xf32>
        %parallel_loop3A_167 = arith.constant 1 : i32
        %parallel_loop3A_168 = arith.addi %parallel_loop3A_153, %parallel_loop3A_167 : i32
        %parallel_loop3A_169 = arith.index_cast %parallel_loop3A_168 : i32 to index
        %parallel_loop3A_170 = arith.index_cast %parallel_loop3A_159 : i32 to index
        %parallel_loop3A_171 = tpu.vector_load %arg8[%parallel_loop3A_169, %parallel_loop3A_170] {strides = array<i32>} : memref<128x256xf32, #tpu.memory_space<vmem>>, vector<1x16xf32>,
        %parallel_loop3A_172 = vector.shape_cast %parallel_loop3A_171 : vector<1x16xf32> to vector<16xf32>
        %parallel_loop3A_173 = arith.mulf %parallel_loop3A_172, %get3A_9 : vector<16xf32>
        %parallel_loop3A_174 = arith.constant 2 : i32
        %parallel_loop3A_175 = arith.addi %parallel_loop3A_153, %parallel_loop3A_174 : i32
        %parallel_loop3A_176 = arith.index_cast %parallel_loop3A_175 : i32 to index
        %parallel_loop3A_177 = arith.index_cast %parallel_loop3A_159 : i32 to index
        %parallel_loop3A_178 = tpu.vector_load %arg8[%parallel_loop3A_176, %parallel_loop3A_177] {strides = array<i32>} : memref<128x256xf32, #tpu.memory_space<vmem>>, vector<1x16xf32>,
        %parallel_loop3A_179 = vector.shape_cast %parallel_loop3A_178 : vector<1x16xf32> to vector<16xf32>
        %parallel_loop3A_180 = arith.mulf %parallel_loop3A_179, %get3A_12 : vector<16xf32>
        %parallel_loop3A_181 = arith.constant 3 : i32
        %parallel_loop3A_182 = arith.addi %parallel_loop3A_153, %parallel_loop3A_181 : i32
        %parallel_loop3A_183 = arith.index_cast %parallel_loop3A_182 : i32 to index
        %parallel_loop3A_184 = arith.index_cast %parallel_loop3A_159 : i32 to index
        %parallel_loop3A_185 = tpu.vector_load %arg8[%parallel_loop3A_183, %parallel_loop3A_184] {strides = array<i32>} : memref<128x256xf32, #tpu.memory_space<vmem>>, vector<1x16xf32>,
        %parallel_loop3A_186 = vector.shape_cast %parallel_loop3A_185 : vector<1x16xf32> to vector<16xf32>
        %parallel_loop3A_187 = arith.mulf %parallel_loop3A_186, %get3A_15 : vector<16xf32>
        %parallel_loop3A_188 = arith.constant 4 : i32
        %parallel_loop3A_189 = arith.addi %parallel_loop3A_153, %parallel_loop3A_188 : i32
        %parallel_loop3A_190 = arith.index_cast %parallel_loop3A_189 : i32 to index
        %parallel_loop3A_191 = arith.index_cast %parallel_loop3A_159 : i32 to index
        %parallel_loop3A_192 = tpu.vector_load %arg8[%parallel_loop3A_190, %parallel_loop3A_191] {strides = array<i32>} : memref<128x256xf32, #tpu.memory_space<vmem>>, vector<1x16xf32>,
        %parallel_loop3A_193 = vector.shape_cast %parallel_loop3A_192 : vector<1x16xf32> to vector<16xf32>
        %parallel_loop3A_194 = arith.mulf %parallel_loop3A_193, %get3A_18 : vector<16xf32>
        %parallel_loop3A_195 = arith.constant 5 : i32
        %parallel_loop3A_196 = arith.addi %parallel_loop3A_153, %parallel_loop3A_195 : i32
        %parallel_loop3A_197 = arith.index_cast %parallel_loop3A_196 : i32 to index
        %parallel_loop3A_198 = arith.index_cast %parallel_loop3A_159 : i32 to index
        %parallel_loop3A_199 = tpu.vector_load %arg8[%parallel_loop3A_197, %parallel_loop3A_198] {strides = array<i32>} : memref<128x256xf32, #tpu.memory_space<vmem>>, vector<1x16xf32>,
        %parallel_loop3A_200 = vector.shape_cast %parallel_loop3A_199 : vector<1x16xf32> to vector<16xf32>
        %parallel_loop3A_201 = arith.mulf %parallel_loop3A_200, %get3A_21 : vector<16xf32>
        %parallel_loop3A_202 = arith.constant 6 : i32
        %parallel_loop3A_203 = arith.addi %parallel_loop3A_153, %parallel_loop3A_202 : i32
        %parallel_loop3A_204 = arith.index_cast %parallel_loop3A_203 : i32 to index
        %parallel_loop3A_205 = arith.index_cast %parallel_loop3A_159 : i32 to index
        %parallel_loop3A_206 = tpu.vector_load %arg8[%parallel_loop3A_204, %parallel_loop3A_205] {strides = array<i32>} : memref<128x256xf32, #tpu.memory_space<vmem>>, vector<1x16xf32>,
        %parallel_loop3A_207 = vector.shape_cast %parallel_loop3A_206 : vector<1x16xf32> to vector<16xf32>
        %parallel_loop3A_208 = arith.mulf %parallel_loop3A_207, %get3A_24 : vector<16xf32>
        %parallel_loop3A_209 = arith.constant 7 : i32
        %parallel_loop3A_210 = arith.addi %parallel_loop3A_153, %parallel_loop3A_209 : i32
        %parallel_loop3A_211 = arith.index_cast %parallel_loop3A_210 : i32 to index
        %parallel_loop3A_212 = arith.index_cast %parallel_loop3A_159 : i32 to index
        %parallel_loop3A_213 = tpu.vector_load %arg8[%parallel_loop3A_211, %parallel_loop3A_212] {strides = array<i32>} : memref<128x256xf32, #tpu.memory_space<vmem>>, vector<1x16xf32>,
        %parallel_loop3A_214 = vector.shape_cast %parallel_loop3A_213 : vector<1x16xf32> to vector<16xf32>
        %parallel_loop3A_215 = arith.mulf %parallel_loop3A_214, %get3A_27 : vector<16xf32>
        %parallel_loop3A_216 = arith.addf %parallel_loop3A_166, %parallel_loop3A_173 : vector<16xf32>
        %parallel_loop3A_217 = arith.addf %parallel_loop3A_180, %parallel_loop3A_187 : vector<16xf32>
        %parallel_loop3A_218 = arith.addf %parallel_loop3A_194, %parallel_loop3A_201 : vector<16xf32>
        %parallel_loop3A_219 = arith.addf %parallel_loop3A_208, %parallel_loop3A_215 : vector<16xf32>
        %parallel_loop3A_220 = arith.addf %parallel_loop3A_216, %parallel_loop3A_217 : vector<16xf32>
        %parallel_loop3A_221 = arith.addf %parallel_loop3A_218, %parallel_loop3A_219 : vector<16xf32>
        %parallel_loop3A_222 = arith.addf %parallel_loop3A_220, %parallel_loop3A_221 : vector<16xf32>
        %parallel_loop3A_223 = arith.index_cast %parallel_loop3A_151 : i32 to index
        %parallel_loop3A_224 = arith.index_cast %parallel_loop3A_159 : i32 to index
        %parallel_loop3A_225 = tpu.vector_load %arg10[%parallel_loop3A_223, %parallel_loop3A_224] {strides = array<i32>} : memref<16x256xf32, #tpu.memory_space<vmem>>, vector<1x16xf32>,
        %parallel_loop3A_226 = vector.shape_cast %parallel_loop3A_225 : vector<1x16xf32> to vector<16xf32>
        %parallel_loop3A_227 = vector.shape_cast %parallel_loop3A_222 : vector<16xf32> to vector<1x16xf32>
        tpu.vector_store %arg10[%parallel_loop3A_223, %parallel_loop3A_224], %parallel_loop3A_227 {strides = array<i32>} : memref<16x256xf32, #tpu.memory_space<vmem>>, vector<1x16xf32>,
      } {sc.loop_unroll_factor = 2 : i64, sc.parallel_access}
    } {sc.loop_unroll_factor = 1 : i64, sc.parallel_access}
    %add3A_133 = arith.constant 6384 : i32
    %add3A_134 = arith.addi %mul3A_2, %add3A_133 : i32
    %dma_start3A_135 = arith.constant 0 : i32
    %dma_start3A_136 = tpu.memref_slice %arg5[%add3A_134, %dma_start3A_135] : memref<204800x256xf32, #tpu.memory_space<hbm>> -> memref<16x256xf32, #tpu.memory_space<hbm>>
    %dma_start3A_137 = arith.constant 0 : i32
    %dma_start3A_138 = tpu.memref_slice %arg5[%add3A_134, %dma_start3A_137] : memref<204800x256xf32, #tpu.memory_space<hbm>> -> memref<16x256xf32, #tpu.memory_space<hbm>>
    tpu.enqueue_dma source(%arg10 : memref<16x256xf32, #tpu.memory_space<vmem>>) target(%dma_start3A_138 : memref<16x256xf32, #tpu.memory_space<hbm>>) target_semaphore(%arg15 : memref<!tpu.dma_semaphore, #tpu.memory_space<semaphore_mem>>)
    %add3A_139 = arith.constant 6368 : i32
    %add3A_140 = arith.addi %mul3A_2, %add3A_139 : i32
    %dma_wait3A_141 = arith.constant 0 : i32
    %dma_wait3A_142 = tpu.memref_slice %arg5[%add3A_140, %dma_wait3A_141] : memref<204800x256xf32, #tpu.memory_space<hbm>> -> memref<16x256xf32, #tpu.memory_space<hbm>>
    %dma_wait3A_143 = arith.constant 0 : i32
    %dma_wait3A_144 = tpu.memref_slice %arg5[%add3A_140, %dma_wait3A_143] : memref<204800x256xf32, #tpu.memory_space<hbm>> -> memref<16x256xf32, #tpu.memory_space<hbm>>
    tpu.wait_dma2 semaphore(%arg14 : memref<!tpu.dma_semaphore, #tpu.memory_space<semaphore_mem>>) src(%arg9 : memref<16x256xf32, #tpu.memory_space<vmem>>) dst(%dma_wait3A_144 : memref<16x256xf32, #tpu.memory_space<hbm>>)
    %add3A_145 = arith.constant 6384 : i32
    %add3A_146 = arith.addi %mul3A_2, %add3A_145 : i32
    %dma_wait3A_147 = arith.constant 0 : i32
    %dma_wait3A_148 = tpu.memref_slice %arg5[%add3A_146, %dma_wait3A_147] : memref<204800x256xf32, #tpu.memory_space<hbm>> -> memref<16x256xf32, #tpu.memory_space<hbm>>
    %dma_wait3A_149 = arith.constant 0 : i32
    %dma_wait3A_150 = tpu.memref_slice %arg5[%add3A_146, %dma_wait3A_149] : memref<204800x256xf32, #tpu.memory_space<hbm>> -> memref<16x256xf32, #tpu.memory_space<hbm>>
    tpu.wait_dma2 semaphore(%arg15 : memref<!tpu.dma_semaphore, #tpu.memory_space<semaphore_mem>>) src(%arg10 : memref<16x256xf32, #tpu.memory_space<vmem>>) dst(%dma_wait3A_150 : memref<16x256xf32, #tpu.memory_space<hbm>>)
    return
  }
}

</mosaic_0001>

<sc_bundles>
// kernel: kernel.3.cloned.1.call-start
scs
__scs_entry_jumppad:
0x0: {  	(pc) =	sbr.rel $0x88, $3  }
0x1: {  	(tag) =	ssettag $0x0;
	lr =	simm.s32 $0x1  }
0x2: {  	[smem:$0x3F9E] =	sst lr;
	_ =	strace $0xD0000000  }
0x3: {  	_ = 	snop  }
0x4: {  	_ = 	snop  }
0x5: {  	_ = 	snop  }
0x6: {  	_ = 	snop  }
0x7: {  	_ = 	snop  }
__scs_overlays_trampoline_lowered:
0x8: {  	[smem:$0x3FAD] =	sst s0  }
0x9: {  	[smem:$0x3FAE] =	sst s1  }
0xa: {  	[smem:$0x3FAF] =	sst s2  }
0xb: {  	[smem:$0x3FB0] =	sst s3  }
0xc: {  	[smem:$0x3FB1] =	sst s4  }
0xd: {  	[smem:$0x3FB2] =	sst s5  }
0xe: {  	[smem:$0x3FB3] =	sst s6  }
0xf: {  	[smem:$0x3FB4] =	sst s7  }
0x10: {  	[smem:$0x3FB5] =	sst s8  }
0x11: {  	[smem:$0x3FB6] =	sst s9;
	s0 =	simm.s32 @!p0 $0x0  }
0x12: {  	s1 =	sld [smem:$0x3F9C];
	s0 =	simm.s32 @p0 $0x1  }
0x13: {  	[smem:$0x3FB7] =	sst s0;
	s0 =	simm.s32 @!p1 $0x0  }
0x14: {  	s2 =	sld [smem:$0x3F9B];
	s0 =	simm.s32 @p1 $0x1  }
0x15: {  	[smem:$0x3FB8] =	sst s0;
	s0 =	simm.s32 @!p2 $0x0  }
0x16: {  	s3 =	sld [smem:$0x3FDB];
	s0 =	simm.s32 @p2 $0x1  }
0x17: {  	s4 =	simm.s32 $0x1BF5;
	[smem:$0x3FBA] =	sst s0  }
0x18: {  	s0 =	sld [smem:$0x3F9D];
	_ =	swait.ge [sflag:s4], $0x0  }
0x19: {  	s7 =	sld [smem:$0x3F9E]  }
0x1a: {  	s8 =	sadd.s32 $0xFFFFE003, lr  }
0x1b: {  	s9 =	sadd.s32 $0xFFFFFEF7, lr;
	s5 =	simm.s32 $0xFFFFFFFF;
	p2 =	slt.u32 s8, $0xFFFFF086  }
0x1c: {  	p1 =	slt.u32 s9, $0xF7A;
	s5 =	simm.s32 @!p2 $0x0  }
0x1d: {  	s5 =	simm.s32 @p1 $0x1;
	p0 =	seq.s32 s7, s2  }
0x1e: {  	s7 =	smul.u32 @!p0 $0xF7A, s2;
	p2 =	seq.s32 @!p0 s5, $0x0  }
0x1f: {  	s9 =	smul.u32 $0xF7A, s1;
	s8 =	simm.s32 @!p0 $0x1BF5;
	p2 =	por !p2, p0  }
0x20: {  	[sflag:s8] =	ssyncset.s32 @!p0 $0xFFFFF086;
	s6 =	sadd.s32 @!p0 s3, s7;
	s7 =	simm.s32 @!p0 $0x108  }
0x21: {  	s3 =	sadd.s32 s3, s9;
	s6 =	sadd.s32 @!p0 $0x88, s6;
	s7 =	simm.s32 @p2 $0x1082  }
0x22: {  	[simem:s7], [sflag:s8] =	dma.local @!p0 [hbm:s6], $0xF7A  }
0x23: {  	s9 =	sor.u32 $0xD0000000, s2;
	s6 =	simm.s32 $0x108;
	_ =	swait.ge @!p0 [sflag:s8], $0x0  }
0x24: {  	s3 =	sadd.s32 $0x88, s3;
	s6 =	simm.s32 @!p1 $0x1082;
	[sflag:s4] =	ssyncset.s32 $0xFFFFF086  }
0x25: {  	[simem:s6], [sflag:s4] =	dma.local [hbm:s3], $0xF7A  }
0x26: {  	[smem:$0x3F9E] =	sst s1;
	(tag) =	ssettag s2;
	_ =	strace s9  }
0x27: {  	s1 =	sld [smem:$0x3FAE]  }
0x28: {  	s2 =	sld [smem:$0x3FAF]  }
0x29: {  	s4 =	sld [smem:$0x3FB1]  }
0x2a: {  	p0 =	seq.s32 s5, $0x0;
	s5 =	sld [smem:$0x3FB2]  }
0x2b: {  	s6 =	sld [smem:$0x3FB3]  }
0x2c: {  	s7 =	sld [smem:$0x3FB4]  }
0x2d: {  	s3 =	simm.s32 $0x108;
	s8 =	sld [smem:$0x3FB5]  }
0x2e: {  	s3 =	simm.s32 @!p0 $0x1082;
	s9 =	sld [smem:$0x3FB6]  }
0x2f: {  	lr =	sadd.s32 s0, s3;
	s0 =	sld [smem:$0x3FAD]  }
0x30: {  	s3 =	sld [smem:$0x3FB0]  }
0x31: {  	[smem:$0x3FB9] =	sst s10  }
0x32: {  	s10 =	sld [smem:$0x3FB7];
	_ =	sdelay $0x3  }
0x33: {  	p0 =	seq.s32 s10, $0x1;
	s10 =	sld [smem:$0x3FB9];
	_ =	sdelay $0x3  }
0x34: {  	[smem:$0x3FB9] =	sst s10  }
0x35: {  	s10 =	sld [smem:$0x3FB8];
	_ =	sdelay $0x3  }
0x36: {  	p1 =	seq.s32 s10, $0x1;
	s10 =	sld [smem:$0x3FB9];
	_ =	sdelay $0x3  }
0x37: {  	[smem:$0x3FB9] =	sst s10  }
0x38: {  	s10 =	sld [smem:$0x3FBA]  }
0x39: {  	_ = 	snop;
	(pc) =	sbr.ind lr, $3  }
0x3a: {  	_ = 	snop  }
0x3b: {  	_ = 	snop  }
0x3c: {  	p2 =	seq.s32 s10, $0x1;
	s10 =	sld [smem:$0x3FB9]  }
0x3d: {  	_ =	shalt  }
0x3e: {  	_ =	shalt  }
0x3f: {  	_ =	shalt  }
0x40: {  	_ =	shalt  }
0x41: {  	_ =	shalt  }
0x42: {  	_ =	shalt  }
0x43: {  	_ =	shalt  }
0x44: {  	_ =	shalt  }
0x45: {  	_ =	shalt  }
0x46: {  	_ =	shalt  }
0x47: {  	_ =	shalt  }
0x48: {  	_ =	shalt  }
0x49: {  	_ =	shalt  }
0x4a: {  	_ =	shalt  }
0x4b: {  	_ =	shalt  }
0x4c: {  	_ =	shalt  }
0x4d: {  	_ =	shalt  }
0x4e: {  	_ =	shalt  }
0x4f: {  	_ =	shalt  }
0x50: {  	_ =	shalt  }
0x51: {  	_ =	shalt  }
0x52: {  	_ =	shalt  }
0x53: {  	_ =	shalt  }
0x54: {  	_ =	shalt  }
0x55: {  	_ =	shalt  }
0x56: {  	_ =	shalt  }
0x57: {  	_ =	shalt  }
0x58: {  	_ =	shalt  }
0x59: {  	_ =	shalt  }
0x5a: {  	_ =	shalt  }
0x5b: {  	_ =	shalt  }
0x5c: {  	_ =	shalt  }
0x5d: {  	_ =	shalt  }
0x5e: {  	_ =	shalt  }
0x5f: {  	_ =	shalt  }
0x60: {  	_ =	shalt  }
0x61: {  	_ =	shalt  }
0x62: {  	_ =	shalt  }
0x63: {  	_ =	shalt  }
0x64: {  	_ =	shalt  }
0x65: {  	_ =	shalt  }
0x66: {  	_ =	shalt  }
0x67: {  	_ =	shalt  }
0x68: {  	_ =	shalt  }
0x69: {  	_ =	shalt  }
0x6a: {  	_ =	shalt  }
0x6b: {  	_ =	shalt  }
0x6c: {  	_ =	shalt  }
0x6d: {  	_ =	shalt  }
0x6e: {  	_ =	shalt  }
0x6f: {  	_ =	shalt  }
0x70: {  	_ =	shalt  }
0x71: {  	_ =	shalt  }
0x72: {  	_ =	shalt  }
0x73: {  	_ =	shalt  }
0x74: {  	_ =	shalt  }
0x75: {  	_ =	shalt  }
0x76: {  	_ =	shalt  }
0x77: {  	_ =	shalt  }
0x78: {  	_ =	shalt  }
0x79: {  	_ =	shalt  }
0x7a: {  	_ =	shalt  }
0x7b: {  	_ =	shalt  }
0x7c: {  	_ =	shalt  }
0x7d: {  	_ =	shalt  }
0x7e: {  	_ =	shalt  }
0x7f: {  	_ =	shalt  }
0x80: {  	_ =	shalt  }
0x81: {  	_ =	shalt  }
0x82: {  	_ =	shalt  }
0x83: {  	_ =	shalt  }
0x84: {  	_ =	shalt  }
0x85: {  	_ =	shalt  }
0x86: {  	_ =	shalt  }
0x87: {  	_ =	shalt  }
.Lfunc_end0:
.L_simem_size_0:
called_computation_lowered:
.L_overlay_start_0:
0x88: {  	s2 =	sld [smem:$0x3FD9]  }
0x89: {  	s3 =	sld [smem:$0x3FFE];
	_ =	sdelay $0x1  }
0x8a: {  	s1 =	srdreg.scid  }
0x8b: {  	s0 =	sand.u32 $0x1, s1  }
0x8c: {  	s17 =	sshll.u32 s0, $0xA;
	s2 =	sadd.s32 s3, s2  }
0x8d: {  	s2 =	sadd.s32 s2, s17  }
0x8e: {  	[smem:$0x3FC5] =	sst s2  }
0x8f: {  	_ = 	snop  }
0x90: {  	s2 =	sld [smem:$0x3FC8]  }
0x91: {  	s18 =	sld [smem:$0x3FD0];
	(tm) =	ssettm $0x1  }
0x92: {  	s4 =	sld [smem:$0x3FFB];
	_ =	sdelay $0x3  }
0x93: {  	_ =	strace s4  }
0x94: {  	s4 =	sld [smem:$0x3FFC];
	_ =	sdelay $0x3  }
0x95: {  	_ =	strace s4  }
0x96: {  	s4 =	sld [smem:$0x3FFD];
	_ =	sdelay $0x3  }
0x97: {  	_ =	strace s4  }
0x98: {  	_ =	strace $0x8FFFFFFF  }
0x99: {  	s19 =	sld [smem:$0x3FDB];
	_ =	sdelay $0x1  }
0x9a: {  	s5 =	simm.s32 $_scs_section_size  }
0x9b: {  	s6 =	simm.s32 $_size__tile_overlayer_lowered;
	s7 =	simm.s32 $_tile_overlayer_lowered  }
0x9c: {  	s22 =	simm.s32 $0x1BFF;
	s21 =	sshll.u32 s7, $0x1;
	s4 =	sadd.s32 s5, s19  }
0x9d: {  	s8 =	simm.s32 $0x0;
	s20 =	sshll.u32 s6, $0x1;
	s6 =	sadd.s32 s21, s4  }
0x9e: {  	[timem:s8], [sflag:s22] =	dma.local [hbm:s6], s20  }
0x9f: {  	_ =	swait.ge [sflag:s22], s20  }
0xa0: {  	s5 =	ssub.s32 $0x0, s20;
	[sflag:s22] =	ssyncset.done $0x0  }
0xa1: {  	[sflag:s22] =	ssyncadd.s32 s5;
	_ =	sdelay $0x1  }
0xa2: {  	s23 =	simm.s32 $0x1B8B  }
0xa3: {  	_ =	swait.ge [sflag:s23], $0x1  }
0xa4: {  	[sflag:s23] =	ssyncset.done $0x0  }
0xa5: {  	s25 =	simm.s32 $0x1B8E;
	s24 =	sld [smem:$0x3FFE];
	[sflag:s23] =	ssyncadd.s32 $0xFFFFFFFF  }
0xa6: {  	s26 =	simm.s32 $execute0_lowered;
	[smem:$0x3FD2] =	sst s25  }
0xa7: {  	s6 =	sshll.u32 s26, $0x1;
	_ =	strace $0x80000046;
	[dreg:$0x1] =	wrdreg $0xFFFFFFFF  }
0xa8: {  	s28 =	simm.s32 $_size_execute0_lowered;
	s4 =	sadd.s32 s4, s6;
	[dreg:$0x0] =	wrdreg $0x0  }
0xa9: {  	s6 =	sshll.u32 s28, $0x1;
	[dreg:$0x2] =	wrdreg s4  }
0xaa: {  	[dreg:$0x3] =	wrdreg s6  }
0xab: {  	[dreg:$0x4] =	wrdreg $0xC0  }
0xac: {  	_ =	task [dreg:s8], $0x5FFFF  }
0xad: {  	[dreg:$0x1] =	wrdreg $0xFFFFFFFF  }
0xae: {  	[dreg:$0x0] =	wrdreg $0x60  }
0xaf: {  	[dreg:$0x2] =	wrdreg s2  }
0xb0: {  	[dreg:$0x3] =	wrdreg s24  }
0xb1: {  	[dreg:$0x4] =	wrdreg s18  }
0xb2: {  	[dreg:$0x5] =	wrdreg $0x9  }
0xb3: {  	_ =	task.clear_ibuf [dreg:s8], $0x6FFFF;
	_ =	strace $0x90000046  }
0xb4: {  	s29 =	simm.s32 $0x9;
	_ =	strace $0x80000048  }
0xb5: {  	_ =	swait.ge [sflag:s29], $0x1  }
0xb6: {  	[sflag:s29] =	ssyncadd.s32 $0xFFFFFFFF  }
0xb7: {  	_ =	strace $0x90000048  }
0xb8: {  	_ =	sfence  }
0xb9: {  	s30 =	sld [smem:$0x0];
	_ =	sdelay $0x2  }
0xba: {  	s31 =	sshll.u32 s1, $0xD;
	s1 =	sshrl.u32 s1, $0x2  }
0xbb: {  	s3 =	sand.u32 $0x4000, s31;
	s1 =	sadd.s32 s1, s30  }
0xbc: {  	s0 =	sor.u32 s3, s0;
	s1 =	sshll.u32 s1, $0x11  }
0xbd: {  	s0 =	sor.u32 s1, s0  }
0xbe: {  	s0 =	sadd.s32 $0x8F2B, s0  }
0xbf: {  	[sflag:s0] =	ssyncadd.remote.s32 $0x1  }
0xc0: {  	_ =	sfence.sel $0xFFFF  }
0xc1: {  	[dreg:$0x0] =	wrdreg $0xFFFFFFFF;
	(pc) =	sbr.abs _section_cstart, $3  }
0xc2: {  	[dreg:$0x1] =	wrdreg $0xFFFFFFFF  }
0xc3: {  	_ =	task.clear_ibuf [dreg:s8], $0x2FFFF;
	_ =	strace $0x9FFFFFFF  }
0xc4: {  	(tm) =	ssettm $0x7FFFFFFF  }
0xc5: {  	_ =	shalt  }
tec
execute0_lowered:
.L_overlay_start_1:
0x0: {  	(tag) =	ssettag $0x1  }
0x1: {  	s1 =	rddreg [dreg:$0x0]  }
0x2: {  	s0 =	rddreg [dreg:$0x1];
	s2 =	srdreg.scid  }
0x3: {  	s3 =	stileid.u32;
	s8 =	rddreg [dreg:$0x2];
	s4 =	simm.s32 $0x0  }
0x4: {  	s18 =	simm.s32 $0x1B800;
	s2 =	sand.u32 $0x1, s2;
	s3 =	sshll.u32 s3, $0x1  }
0x5: {  	s19 =	simm.s32 $0x1C000;
	s20 =	simm.s32 $0x1;
	s3 =	sor.u32 s2, s3  }
0x6: {  	s21 =	simm.s32 $0x1C800;
	s22 =	simm.s32 $0x2;
	s6 =	smul.u32 $0x1900, s3  }
0x7: {  	s23 =	simm.s32 $0x1D800;
	[smem:$0x7FF] =	sst s4;
	s5 =	smul.u32 $0x190000, s3  }
0x8: {  	_ =	strace $0x80000047;
	s2 =	ssub.s32 $0x2, s2;
	s3 =	smul.u32 $0x32000, s3  }
0x9: {  	s7 =	sshrl.u32 s2, $0x1;
	s6 =	sadd.s32 s6, s0;
	s0 =	sadd.s32 $0x400, s0  }
0xa: {  	s29 =	ssub.s32 s2, s7;
	s3 =	sadd.s32 s8, s3;
	[dreg:$0x4] =	wrdreg s0  }
0xb: {  	s30 =	sshrl.u32 s5, $0x3;
	s6 =	sadd.s32 $0x600, s6;
	[dreg:$0x6] =	wrdreg s3  }
0xc: {  	s2 =	sadd.s32 s8, s30;
	s0 =	smax.u32 s29, $0x1;
	[dreg:$0x5] =	wrdreg s6  }
0xd: {  	v3 =	vlaneseq.u32;
	s24 =	simm.s32 $0x3;
	s31 =	sadd.s32 $0x31C00, s2;
	[dreg:$0x9] =	wrdreg s0  }
0xe: {  	vm0 =	vmmov $0xffff;
	s25 =	simm.s32 $0x4;
	v0 =	vand.u32 $0x7, v3;
	v2 =	vshrl.u32 v3, $0x3;
	s2 =	sadd.s32 $0x31E00, s2;
	[dreg:$0x7] =	wrdreg s31  }
0xf: {  	v3 =	vor.u32 $0x8, v3;
	v1 =	vmul.u32 $0x800, v0;
	v2 =	vmul.u32 $0x8, v2;
	s9 =	sadd.s32 $0x200, s3;
	[dreg:$0x8] =	wrdreg s2;
	s2 =	simm.s32 $0x0  }
.LBB2_1:
0x10: {  	[dreg:$0xa] =	wrdreg s2  }
0x11: {  	s0 =	rddreg [dreg:$0x4];
	s29 =	simm.s32 $0x1E800;
	s30 =	simm.s32 $0x5  }
0x12: {  	[tilespmem:s29], [sflag:$0x5] =	stream.linear.gather [hbm4b:s0+s4], $0x80, $0x38;
	[tilespmem:$0x1E880] =	vst v63  }
0x13: {  	_ =	swait.ge [sflag:s30], $0x80  }
0x14: {  	[sflag:s30] =	ssyncset.done $0x0  }
0x15: {  	s31 =	rddreg [dreg:$0x5];
	[sflag:s30] =	ssyncadd.s32 $0xFFFFFF80  }
0x16: {  	[tilespmem:s4], [sflag:$0x5] =	stream.linear.gather [hbm4b:s31+s4], $0xC800, $0x38;
	[tilespmem:$0x1E880] =	vst v63  }
0x17: {  	_ =	swait.ge [sflag:s30], $0xC800  }
0x18: {  	[sflag:s30] =	ssyncset.done $0x0  }
0x19: {  	[sflag:s30] =	ssyncadd.s32 $0xFFFF3800  }
0x1a: {  	v4 =	vld [tilespmem:$0x1E800]  }
0x1b: {  	v5 =	vld [tilespmem:$0x1E810]  }
0x1c: {  	v6 =	vld [tilespmem:$0x1E820]  }
0x1d: {  	v7 =	vld [tilespmem:$0x1E830]  }
0x1e: {  	v8 =	vld [tilespmem:$0x1E840]  }
0x1f: {  	s2 =	simm.s32 $0x20;
	v9 =	vld [tilespmem:$0x1E850]  }
0x20: {  	v12 =	vld [tilespmem:s2+$0xFFFFFFE0]  }
0x21: {  	v14 =	vld [tilespmem:s2+$0x0]  }
0x22: {  	v13 =	vld [tilespmem:s2+$0x10]  }
0x23: {  	v15 =	vld [tilespmem:s2+$0xFFFFFFF0]  }
0x24: {  	v10 =	vld [tilespmem:$0x1E860]  }
0x25: {  	s0 =	simm.s32 $0x60;
	v11 =	vld [tilespmem:$0x1E870];
	v16 =	vadd.s32 v1, v12  }
0x26: {  	v12 =	vld [tilespmem:s0+$0xFFFFFFE0];
	v17 =	vadd.s32 v1, v14;
	[tilespmem:s2+$0xFFFFFFE0] =	vst v16  }
0x27: {  	v14 =	vld [tilespmem:s0+$0x0];
	v16 =	vadd.s32 v1, v13;
	[tilespmem:s2+$0x0] =	vst v17  }
0x28: {  	s6 =	simm.s32 $0x4;
	v15 =	vadd.s32 v1, v15;
	v13 =	vld [tilespmem:s0+$0x10];
	[tilespmem:s2+$0x10] =	vst v16  }
.LBB2_2:
0x29: {  	s6 =	sadd.s32 $0x4, s6  }
0x2a: {  	v16 =	vld [tilespmem:s0+$0xFFFFFFF0];
	[tilespmem:s2+$0xFFFFFFF0] =	vst v15;
	s2 =	smov.u32 s0;
	p0 =	slt.u32 s6, $0xC7C  }
.Ltmp0:
0x2b: {  	(pc) =	sbr.rel @p0 .LBB2_2-.Ltmp0, $4  }
0x2c: {  	s0 =	sadd.s32 $0x40, s0;
	v15 =	vadd.s32 v1, v12  }
0x2d: {  	v12 =	vld [tilespmem:s0+$0xFFFFFFE0];
	[tilespmem:s2+$0xFFFFFFE0] =	vst v15;
	v15 =	vadd.s32 v1, v13  }
0x2e: {  	v13 =	vld [tilespmem:s0+$0x10];
	v17 =	vadd.s32 v1, v14;
	[tilespmem:s2+$0x10] =	vst v15  }
0x2f: {  	v14 =	vld [tilespmem:s0+$0x0];
	v15 =	vadd.s32 v1, v16;
	[tilespmem:s2+$0x0] =	vst v17  }
0x30: {  	v16 =	vld [tilespmem:s0+$0xFFFFFFF0];
	_ =	sdelay $0x1  }
0x31: {  	[tilespmem:s2+$0xFFFFFFF0] =	vst v15;
	v12 =	vadd.s32 v1, v12  }
0x32: {  	[tilespmem:s0+$0xFFFFFFE0] =	vst v12;
	v45 =	vadd.s32 v1, v13  }
0x33: {  	v46 =	vadd.s32 v1, v14;
	[tilespmem:s0+$0x10] =	vst v45  }
0x34: {  	v47 =	vadd.s32 v1, v16;
	[tilespmem:s0+$0x0] =	vst v46  }
0x35: {  	[tilespmem:s0+$0xFFFFFFF0] =	vst v47  }
0x36: {  	v12 =	vld [tilespmem:$0x0];
	_ =	sdelay $0x4  }
0x37: {  	v48 =	vshll.u32 v12, $0x1  }
0x38: {  	v12 =	vand.u32 $0x7, v12;
	v13 =	vand.u32 $0xFFFFFFF0, v48  }
0x39: {  	v12 =	vor.u32 v12, v13  }
0x3a: {  	v13 =	vperm.xlane v12, v0;
	_ =	sdelay $0x1  }
0x3b: {  	v12 =	vperm.xlane v12, v3;
	v13 =	vadd.s32 v2, v13;
	_ =	sdelay $0x1  }
0x3c: {  	v12 =	vadd.s32 v2, v12;
	_ =	sdelay $0x1  }
0x3d: {  	s26 =	simm.s32 $0x0;
	s6 =	simm.s32 $0xC800  }
0x3e: {  	[tilespmem:s6], [sflag:$0x1] =	stream.indirect_vreg.gather [hbm4b:s1+s26], $0x80, v13, vm0, $0xb8;
	[tilespmem:$0x1E880] =	vst v63  }
0x3f: {  	s7 =	simm.s32 $0xD000  }
0x40: {  	[tilespmem:s7], [sflag:$0x1] =	stream.indirect_vreg.gather [hbm4b:s1+s26], $0x80, v12, vm0, $0xb8;
	[tilespmem:$0x1E880] =	vst v63  }
0x41: {  	v12 =	vld [tilespmem:$0x10];
	_ =	sdelay $0x4  }
0x42: {  	v49 =	vshll.u32 v12, $0x1  }
0x43: {  	v12 =	vand.u32 $0x7, v12;
	v13 =	vand.u32 $0xFFFFFFF0, v49  }
0x44: {  	v12 =	vor.u32 v12, v13  }
0x45: {  	v13 =	vperm.xlane v12, v0;
	_ =	sdelay $0x1  }
0x46: {  	v12 =	vperm.xlane v12, v3;
	v13 =	vadd.s32 v2, v13;
	_ =	sdelay $0x1  }
0x47: {  	v12 =	vadd.s32 v2, v12;
	_ =	sdelay $0x1  }
0x48: {  	s8 =	simm.s32 $0xD800  }
0x49: {  	[tilespmem:s8], [sflag:$0x1] =	stream.indirect_vreg.gather [hbm4b:s1+s26], $0x80, v13, vm0, $0xb8;
	[tilespmem:$0x1E880] =	vst v63  }
0x4a: {  	s10 =	simm.s32 $0xE000  }
0x4b: {  	[tilespmem:s10], [sflag:$0x1] =	stream.indirect_vreg.gather [hbm4b:s1+s26], $0x80, v12, vm0, $0xb8;
	[tilespmem:$0x1E880] =	vst v63  }
0x4c: {  	v12 =	vld [tilespmem:$0x20];
	_ =	sdelay $0x4  }
0x4d: {  	v50 =	vshll.u32 v12, $0x1  }
0x4e: {  	v12 =	vand.u32 $0x7, v12;
	v13 =	vand.u32 $0xFFFFFFF0, v50  }
0x4f: {  	v12 =	vor.u32 v12, v13  }
0x50: {  	v13 =	vperm.xlane v12, v0;
	_ =	sdelay $0x1  }
0x51: {  	v12 =	vperm.xlane v12, v3;
	v13 =	vadd.s32 v2, v13;
	_ =	sdelay $0x1  }
0x52: {  	v12 =	vadd.s32 v2, v12;
	_ =	sdelay $0x1  }
0x53: {  	s11 =	simm.s32 $0xE800  }
0x54: {  	[tilespmem:s11], [sflag:$0x1] =	stream.indirect_vreg.gather [hbm4b:s1+s26], $0x80, v13, vm0, $0xb8;
	[tilespmem:$0x1E880] =	vst v63  }
0x55: {  	s12 =	simm.s32 $0xF000  }
0x56: {  	[tilespmem:s12], [sflag:$0x1] =	stream.indirect_vreg.gather [hbm4b:s1+s26], $0x80, v12, vm0, $0xb8;
	[tilespmem:$0x1E880] =	vst v63  }
0x57: {  	v12 =	vld [tilespmem:$0x30];
	_ =	sdelay $0x4  }
0x58: {  	v51 =	vshll.u32 v12, $0x1  }
0x59: {  	v12 =	vand.u32 $0x7, v12;
	v13 =	vand.u32 $0xFFFFFFF0, v51  }
0x5a: {  	v12 =	vor.u32 v12, v13  }
0x5b: {  	v13 =	vperm.xlane v12, v0;
	_ =	sdelay $0x1  }
0x5c: {  	v12 =	vperm.xlane v12, v3;
	v13 =	vadd.s32 v2, v13;
	_ =	sdelay $0x1  }
0x5d: {  	v12 =	vadd.s32 v2, v12;
	_ =	sdelay $0x1  }
0x5e: {  	s13 =	simm.s32 $0xF800  }
0x5f: {  	[tilespmem:s13], [sflag:$0x1] =	stream.indirect_vreg.gather [hbm4b:s1+s26], $0x80, v13, vm0, $0xb8;
	[tilespmem:$0x1E880] =	vst v63  }
0x60: {  	s14 =	simm.s32 $0x10000  }
0x61: {  	[tilespmem:s14], [sflag:$0x1] =	stream.indirect_vreg.gather [hbm4b:s1+s26], $0x80, v12, vm0, $0xb8;
	[tilespmem:$0x1E880] =	vst v63  }
0x62: {  	v12 =	vld [tilespmem:$0x40];
	_ =	sdelay $0x4  }
0x63: {  	v52 =	vshll.u32 v12, $0x1  }
0x64: {  	v12 =	vand.u32 $0x7, v12;
	v13 =	vand.u32 $0xFFFFFFF0, v52  }
0x65: {  	v12 =	vor.u32 v12, v13  }
0x66: {  	v13 =	vperm.xlane v12, v0;
	_ =	sdelay $0x1  }
0x67: {  	v12 =	vperm.xlane v12, v3;
	v13 =	vadd.s32 v2, v13;
	_ =	sdelay $0x1  }
0x68: {  	v12 =	vadd.s32 v2, v12;
	_ =	sdelay $0x1  }
0x69: {  	s15 =	simm.s32 $0x10800  }
0x6a: {  	[tilespmem:s15], [sflag:$0x1] =	stream.indirect_vreg.gather [hbm4b:s1+s26], $0x80, v13, vm0, $0xb8;
	[tilespmem:$0x1E880] =	vst v63  }
0x6b: {  	s16 =	simm.s32 $0x11000  }
0x6c: {  	[tilespmem:s16], [sflag:$0x1] =	stream.indirect_vreg.gather [hbm4b:s1+s26], $0x80, v12, vm0, $0xb8;
	[tilespmem:$0x1E880] =	vst v63  }
0x6d: {  	v12 =	vld [tilespmem:$0x50];
	_ =	sdelay $0x4  }
0x6e: {  	v53 =	vshll.u32 v12, $0x1  }
0x6f: {  	v12 =	vand.u32 $0x7, v12;
	v13 =	vand.u32 $0xFFFFFFF0, v53  }
0x70: {  	v12 =	vor.u32 v12, v13  }
0x71: {  	v13 =	vperm.xlane v12, v0;
	_ =	sdelay $0x1  }
0x72: {  	v12 =	vperm.xlane v12, v3;
	v13 =	vadd.s32 v2, v13;
	_ =	sdelay $0x1  }
0x73: {  	v12 =	vadd.s32 v2, v12;
	_ =	sdelay $0x1  }
0x74: {  	s17 =	simm.s32 $0x11800  }
0x75: {  	[tilespmem:s17], [sflag:$0x1] =	stream.indirect_vreg.gather [hbm4b:s1+s26], $0x80, v13, vm0, $0xb8;
	[tilespmem:$0x1E880] =	vst v63  }
0x76: {  	s29 =	simm.s32 $0x12000  }
0x77: {  	[tilespmem:s29], [sflag:$0x1] =	stream.indirect_vreg.gather [hbm4b:s1+s26], $0x80, v12, vm0, $0xb8;
	[tilespmem:$0x1E880] =	vst v63  }
0x78: {  	v12 =	vld [tilespmem:$0x60];
	_ =	sdelay $0x4  }
0x79: {  	v54 =	vshll.u32 v12, $0x1  }
0x7a: {  	v12 =	vand.u32 $0x7, v12;
	v13 =	vand.u32 $0xFFFFFFF0, v54  }
0x7b: {  	v12 =	vor.u32 v12, v13  }
0x7c: {  	v13 =	vperm.xlane v12, v0;
	_ =	sdelay $0x1  }
0x7d: {  	v12 =	vperm.xlane v12, v3;
	v13 =	vadd.s32 v2, v13;
	_ =	sdelay $0x1  }
0x7e: {  	v12 =	vadd.s32 v2, v12;
	_ =	sdelay $0x1  }
0x7f: {  	s30 =	simm.s32 $0x12800  }
0x80: {  	[tilespmem:s30], [sflag:$0x1] =	stream.indirect_vreg.gather [hbm4b:s1+s26], $0x80, v13, vm0, $0xb8;
	[tilespmem:$0x1E880] =	vst v63  }
0x81: {  	s31 =	simm.s32 $0x13000  }
0x82: {  	[tilespmem:s31], [sflag:$0x1] =	stream.indirect_vreg.gather [hbm4b:s1+s26], $0x80, v12, vm0, $0xb8;
	[tilespmem:$0x1E880] =	vst v63  }
0x83: {  	v12 =	vld [tilespmem:$0x70];
	_ =	sdelay $0x4  }
0x84: {  	v55 =	vshll.u32 v12, $0x1  }
0x85: {  	v12 =	vand.u32 $0x7, v12;
	v13 =	vand.u32 $0xFFFFFFF0, v55  }
0x86: {  	v12 =	vor.u32 v12, v13  }
0x87: {  	v13 =	vperm.xlane v12, v0;
	_ =	sdelay $0x1  }
0x88: {  	v12 =	vperm.xlane v12, v3;
	v13 =	vadd.s32 v2, v13;
	_ =	sdelay $0x1  }
0x89: {  	v12 =	vadd.s32 v2, v12;
	_ =	sdelay $0x1  }
0x8a: {  	s2 =	simm.s32 $0x13800  }
0x8b: {  	[tilespmem:s2], [sflag:$0x1] =	stream.indirect_vreg.gather [hbm4b:s1+s26], $0x80, v13, vm0, $0xb8;
	[tilespmem:$0x1E880] =	vst v63  }
0x8c: {  	s3 =	simm.s32 $0x14000  }
0x8d: {  	[tilespmem:s3], [sflag:$0x1] =	stream.indirect_vreg.gather [hbm4b:s1+s26], $0x80, v12, vm0, $0xb8;
	[tilespmem:$0x1E880] =	vst v63  }
0x8e: {  	v12 =	vld [tilespmem:$0x80];
	_ =	sdelay $0x4  }
0x8f: {  	v56 =	vshll.u32 v12, $0x1  }
0x90: {  	v12 =	vand.u32 $0x7, v12;
	v13 =	vand.u32 $0xFFFFFFF0, v56  }
0x91: {  	v12 =	vor.u32 v12, v13  }
0x92: {  	v13 =	vperm.xlane v12, v0;
	_ =	sdelay $0x1  }
0x93: {  	v12 =	vperm.xlane v12, v3;
	v13 =	vadd.s32 v2, v13;
	_ =	sdelay $0x1  }
0x94: {  	v12 =	vadd.s32 v2, v12;
	_ =	sdelay $0x1  }
0x95: {  	s6 =	simm.s32 $0x14800  }
0x96: {  	[tilespmem:s6], [sflag:$0x2] =	stream.indirect_vreg.gather [hbm4b:s1+s26], $0x80, v13, vm0, $0xb8;
	[tilespmem:$0x1E880] =	vst v63  }
0x97: {  	s7 =	simm.s32 $0x15000  }
0x98: {  	[tilespmem:s7], [sflag:$0x2] =	stream.indirect_vreg.gather [hbm4b:s1+s26], $0x80, v12, vm0, $0xb8;
	[tilespmem:$0x1E880] =	vst v63  }
0x99: {  	v12 =	vld [tilespmem:$0x90];
	_ =	sdelay $0x4  }
0x9a: {  	v57 =	vshll.u32 v12, $0x1  }
0x9b: {  	v12 =	vand.u32 $0x7, v12;
	v13 =	vand.u32 $0xFFFFFFF0, v57  }
0x9c: {  	v12 =	vor.u32 v12, v13  }
0x9d: {  	v13 =	vperm.xlane v12, v0;
	_ =	sdelay $0x1  }
0x9e: {  	v12 =	vperm.xlane v12, v3;
	v13 =	vadd.s32 v2, v13;
	_ =	sdelay $0x1  }
0x9f: {  	v12 =	vadd.s32 v2, v12;
	_ =	sdelay $0x1  }
0xa0: {  	s8 =	simm.s32 $0x15800  }
0xa1: {  	[tilespmem:s8], [sflag:$0x2] =	stream.indirect_vreg.gather [hbm4b:s1+s26], $0x80, v13, vm0, $0xb8;
	[tilespmem:$0x1E880] =	vst v63  }
0xa2: {  	s10 =	simm.s32 $0x16000  }
0xa3: {  	[tilespmem:s10], [sflag:$0x2] =	stream.indirect_vreg.gather [hbm4b:s1+s26], $0x80, v12, vm0, $0xb8;
	[tilespmem:$0x1E880] =	vst v63  }
0xa4: {  	v12 =	vld [tilespmem:$0xA0];
	_ =	sdelay $0x4  }
0xa5: {  	v58 =	vshll.u32 v12, $0x1  }
0xa6: {  	v12 =	vand.u32 $0x7, v12;
	v13 =	vand.u32 $0xFFFFFFF0, v58  }
0xa7: {  	v12 =	vor.u32 v12, v13  }
0xa8: {  	v13 =	vperm.xlane v12, v0;
	_ =	sdelay $0x1  }
0xa9: {  	v12 =	vperm.xlane v12, v3;
	v13 =	vadd.s32 v2, v13;
	_ =	sdelay $0x1  }
0xaa: {  	v12 =	vadd.s32 v2, v12;
	_ =	sdelay $0x1  }
0xab: {  	s11 =	simm.s32 $0x16800  }
0xac: {  	[tilespmem:s11], [sflag:$0x2] =	stream.indirect_vreg.gather [hbm4b:s1+s26], $0x80, v13, vm0, $0xb8;
	[tilespmem:$0x1E880] =	vst v63  }
0xad: {  	s12 =	simm.s32 $0x17000  }
0xae: {  	[tilespmem:s12], [sflag:$0x2] =	stream.indirect_vreg.gather [hbm4b:s1+s26], $0x80, v12, vm0, $0xb8;
	[tilespmem:$0x1E880] =	vst v63  }
0xaf: {  	v12 =	vld [tilespmem:$0xB0];
	_ =	sdelay $0x4  }
0xb0: {  	v59 =	vshll.u32 v12, $0x1  }
0xb1: {  	v12 =	vand.u32 $0x7, v12;
	v13 =	vand.u32 $0xFFFFFFF0, v59  }
0xb2: {  	v12 =	vor.u32 v12, v13  }
0xb3: {  	v13 =	vperm.xlane v12, v0;
	_ =	sdelay $0x1  }
0xb4: {  	v12 =	vperm.xlane v12, v3;
	v13 =	vadd.s32 v2, v13;
	_ =	sdelay $0x1  }
0xb5: {  	v12 =	vadd.s32 v2, v12;
	_ =	sdelay $0x1  }
0xb6: {  	s13 =	simm.s32 $0x17800  }
0xb7: {  	[tilespmem:s13], [sflag:$0x2] =	stream.indirect_vreg.gather [hbm4b:s1+s26], $0x80, v13, vm0, $0xb8;
	[tilespmem:$0x1E880] =	vst v63  }
0xb8: {  	s14 =	simm.s32 $0x18000  }
0xb9: {  	[tilespmem:s14], [sflag:$0x2] =	stream.indirect_vreg.gather [hbm4b:s1+s26], $0x80, v12, vm0, $0xb8;
	[tilespmem:$0x1E880] =	vst v63  }
0xba: {  	v12 =	vld [tilespmem:$0xC0];
	_ =	sdelay $0x4  }
0xbb: {  	v60 =	vshll.u32 v12, $0x1  }
0xbc: {  	v12 =	vand.u32 $0x7, v12;
	v13 =	vand.u32 $0xFFFFFFF0, v60  }
0xbd: {  	v12 =	vor.u32 v12, v13  }
0xbe: {  	v13 =	vperm.xlane v12, v0;
	_ =	sdelay $0x1  }
0xbf: {  	v12 =	vperm.xlane v12, v3;
	v13 =	vadd.s32 v2, v13;
	_ =	sdelay $0x1  }
0xc0: {  	v12 =	vadd.s32 v2, v12;
	_ =	sdelay $0x1  }
0xc1: {  	s15 =	simm.s32 $0x18800  }
0xc2: {  	[tilespmem:s15], [sflag:$0x2] =	stream.indirect_vreg.gather [hbm4b:s1+s26], $0x80, v13, vm0, $0xb8;
	[tilespmem:$0x1E880] =	vst v63  }
0xc3: {  	s16 =	simm.s32 $0x19000  }
0xc4: {  	[tilespmem:s16], [sflag:$0x2] =	stream.indirect_vreg.gather [hbm4b:s1+s26], $0x80, v12, vm0, $0xb8;
	[tilespmem:$0x1E880] =	vst v63  }
0xc5: {  	v12 =	vld [tilespmem:$0xD0];
	_ =	sdelay $0x4  }
0xc6: {  	v61 =	vshll.u32 v12, $0x1  }
0xc7: {  	v12 =	vand.u32 $0x7, v12;
	v13 =	vand.u32 $0xFFFFFFF0, v61  }
0xc8: {  	v12 =	vor.u32 v12, v13  }
0xc9: {  	v13 =	vperm.xlane v12, v0;
	_ =	sdelay $0x1  }
0xca: {  	v12 =	vperm.xlane v12, v3;
	v13 =	vadd.s32 v2, v13;
	_ =	sdelay $0x1  }
0xcb: {  	v12 =	vadd.s32 v2, v12;
	_ =	sdelay $0x1  }
0xcc: {  	s17 =	simm.s32 $0x19800  }
0xcd: {  	[tilespmem:s17], [sflag:$0x2] =	stream.indirect_vreg.gather [hbm4b:s1+s26], $0x80, v13, vm0, $0xb8;
	[tilespmem:$0x1E880] =	vst v63  }
0xce: {  	s29 =	simm.s32 $0x1A000  }
0xcf: {  	[tilespmem:s29], [sflag:$0x2] =	stream.indirect_vreg.gather [hbm4b:s1+s26], $0x80, v12, vm0, $0xb8;
	[tilespmem:$0x1E880] =	vst v63  }
0xd0: {  	v12 =	vld [tilespmem:$0xE0];
	_ =	sdelay $0x4  }
0xd1: {  	v62 =	vshll.u32 v12, $0x1  }
0xd2: {  	v12 =	vand.u32 $0x7, v12;
	v13 =	vand.u32 $0xFFFFFFF0, v62  }
0xd3: {  	v12 =	vor.u32 v12, v13  }
0xd4: {  	v13 =	vperm.xlane v12, v0;
	_ =	sdelay $0x1  }
0xd5: {  	v12 =	vperm.xlane v12, v3;
	v13 =	vadd.s32 v2, v13;
	_ =	sdelay $0x1  }
0xd6: {  	v12 =	vadd.s32 v2, v12;
	_ =	sdelay $0x1  }
0xd7: {  	s30 =	simm.s32 $0x1A800  }
0xd8: {  	[tilespmem:s30], [sflag:$0x2] =	stream.indirect_vreg.gather [hbm4b:s1+s26], $0x80, v13, vm0, $0xb8;
	[tilespmem:$0x1E880] =	vst v63  }
0xd9: {  	s31 =	simm.s32 $0x1B000  }
0xda: {  	[tilespmem:s31], [sflag:$0x2] =	stream.indirect_vreg.gather [hbm4b:s1+s26], $0x80, v12, vm0, $0xb8;
	[tilespmem:$0x1E880] =	vst v63  }
0xdb: {  	v12 =	vld [tilespmem:$0xF0];
	_ =	sdelay $0x4  }
0xdc: {  	v63 =	vshll.u32 v12, $0x1  }
0xdd: {  	v12 =	vand.u32 $0x7, v12;
	v13 =	vand.u32 $0xFFFFFFF0, v63  }
0xde: {  	v12 =	vor.u32 v12, v13  }
0xdf: {  	v13 =	vperm.xlane v12, v0;
	_ =	sdelay $0x1  }
0xe0: {  	v12 =	vperm.xlane v12, v3;
	v13 =	vadd.s32 v2, v13;
	_ =	sdelay $0x1  }
0xe1: {  	v12 =	vadd.s32 v2, v12;
	_ =	sdelay $0x2  }
0xe2: {  	[tilespmem:s18], [sflag:$0x2] =	stream.indirect_vreg.gather [hbm4b:s1+s26], $0x80, v13, vm0, $0xb8;
	[tilespmem:$0x1E880] =	vst v63  }
0xe3: {  	_ = 	snop  }
0xe4: {  	[tilespmem:s19], [sflag:$0x2] =	stream.indirect_vreg.gather [hbm4b:s1+s26], $0x80, v12, vm0, $0xb8;
	[tilespmem:$0x1E880] =	vst v63  }
0xe5: {  	_ =	swait.ge [sflag:s20], $0x8000  }
0xe6: {  	[sflag:s20] =	ssyncset.done $0x0  }
0xe7: {  	s28 =	simm.s32 $0x0;
	[sflag:s20] =	ssyncadd.s32 $0xFFFF8000  }
.LBB2_4:
0xe8: {  	s0 =	sshll.u32 s28, $0xB  }
0xe9: {  	s0 =	sand.u32 $0x3FFFF800, s0  }
0xea: {  	s29 =	sand.u32 $0x60, s26;
	s2 =	sand.u32 $0x400, s26;
	s13 =	sadd.s32 $0xC800, s0  }
0xeb: {  	s0 =	sor.u32 $0x10, s29;
	s6 =	sadd.s32 s2, s13  }
0xec: {  	s8 =	sadd.s32 s0, s6  }
0xed: {  	v13 =	vld [tilespmem:s8+$0x0]  }
0xee: {  	v15 =	vld [tilespmem:s8+$0x80]  }
0xef: {  	v16 =	vld [tilespmem:s8+$0x100]  }
0xf0: {  	v20 =	vld [tilespmem:s8+$0x180]  }
0xf1: {  	v22 =	vld [tilespmem:s8+$0x200]  }
0xf2: {  	v23 =	vld [tilespmem:s8+$0x280]  }
0xf3: {  	v24 =	vld [tilespmem:s8+$0x300]  }
0xf4: {  	s7 =	sadd.s32 s29, s6;
	v25 =	vld [tilespmem:s8+$0x380]  }
0xf5: {  	v14 =	vld [tilespmem:s7+$0x0]  }
0xf6: {  	s30 =	sshll.u32 s28, $0x8;
	s31 =	sshll.u32 s28, $0x7;
	v12 =	vld [tilespmem:s7+$0x80];
	v17 =	vmul.f32 v13, v4;
	v18 =	vmul.f32 v15, v5  }
0xf7: {  	s6 =	sand.u32 $0x800, s30;
	s8 =	sand.u32 $0x380, s31;
	v13 =	vld [tilespmem:s7+$0x100];
	v19 =	vmul.f32 v16, v6;
	v21 =	vmul.f32 v20, v7  }
0xf8: {  	s10 =	simm.s32 $0x0;
	s6 =	sor.u32 s8, s6;
	v15 =	vld [tilespmem:s7+$0x180];
	v20 =	vmul.f32 v22, v8;
	v22 =	vmul.f32 v23, v9  }
0xf9: {  	s11 =	simm.s32 $0x100;
	s12 =	simm.s32 $0x20;
	s6 =	sadd.s32 $0x1C800, s6;
	v16 =	vld [tilespmem:s7+$0x200];
	v23 =	vmul.f32 v24, v10;
	v24 =	vmul.f32 v25, v11  }
.LBB2_5:
0xfa: {  	s8 =	sand.u32 $0x60, s12;
	s30 =	sand.u32 $0x400, s11;
	v14 =	vmul.f32 v14, v4;
	v25 =	vld [tilespmem:s7+$0x280];
	v17 =	vadd.f32 v18, v17;
	v18 =	vadd.f32 v21, v19  }
0xfb: {  	v20 =	vadd.f32 v22, v20;
	s31 =	sadd.s32 s30, s13;
	s14 =	sor.u32 $0x10, s8;
	v12 =	vmul.f32 v12, v5;
	v19 =	vld [tilespmem:s7+$0x300];
	v21 =	vadd.f32 v24, v23  }
0xfc: {  	s3 =	sadd.s32 s14, s31;
	v13 =	vmul.f32 v13, v6;
	v22 =	vld [tilespmem:s7+$0x380];
	s7 =	sadd.s32 s8, s31  }
0xfd: {  	v17 =	vadd.f32 v18, v17;
	v23 =	vld [tilespmem:s3+$0x0];
	v15 =	vmul.f32 v15, v7;
	v18 =	vadd.f32 v21, v20  }
0xfe: {  	v12 =	vadd.f32 v12, v14;
	v20 =	vld [tilespmem:s3+$0x80];
	v16 =	vmul.f32 v16, v8  }
0xff: {  	s31 =	sadd.s32 s2, s6;
	s2 =	smov.u32 s30;
	v21 =	vld [tilespmem:s3+$0x100];
	v14 =	vmul.f32 v25, v9;
	v13 =	vadd.f32 v15, v13;
	v15 =	vadd.f32 v18, v17  }
0x100: {  	s30 =	sadd.s32 s29, s31;
	s0 =	sadd.s32 s0, s31;
	s29 =	smov.u32 s8;
	v24 =	vld [tilespmem:s3+$0x180];
	v17 =	vmul.f32 v19, v10  }
0x101: {  	s10 =	sadd.s32 $0x2, s10;
	v25 =	vld [tilespmem:s3+$0x200];
	v18 =	vmul.f32 v22, v11;
	v16 =	vadd.f32 v14, v16;
	v22 =	vadd.f32 v13, v12;
	[tilespmem:s0+$0x0] =	vst v15;
	s0 =	smov.u32 s14  }
0x102: {  	p0 =	slt.u32 s10, $0xE;
	v26 =	vld [tilespmem:s3+$0x280]  }
0x103: {  	v27 =	vld [tilespmem:s3+$0x300];
	v12 =	vadd.f32 v18, v17  }
0x104: {  	v28 =	vld [tilespmem:s3+$0x380]  }
.Ltmp1:
0x105: {  	v14 =	vld [tilespmem:s7+$0x0];
	v15 =	vadd.f32 v12, v16;
	(pc) =	sbr.rel @p0 .LBB2_5-.Ltmp1, $4  }
0x106: {  	v17 =	vmul.f32 v23, v4;
	v18 =	vmul.f32 v20, v5;
	v12 =	vld [tilespmem:s7+$0x80]  }
0x107: {  	v19 =	vmul.f32 v21, v6;
	v21 =	vmul.f32 v24, v7;
	v13 =	vld [tilespmem:s7+$0x100];
	v29 =	vadd.f32 v15, v22  }
0x108: {  	v20 =	vmul.f32 v25, v8;
	v22 =	vmul.f32 v26, v9;
	v15 =	vld [tilespmem:s7+$0x180]  }
0x109: {  	s11 =	sadd.s32 $0x100, s11;
	s12 =	sadd.s32 $0x20, s12;
	v23 =	vmul.f32 v27, v10;
	v16 =	vld [tilespmem:s7+$0x200];
	v24 =	vmul.f32 v28, v11;
	[tilespmem:s30+$0x0] =	vst v29  }
0x10a: {  	v25 =	vld [tilespmem:s7+$0x280]  }
0x10b: {  	v26 =	vld [tilespmem:s7+$0x300]  }
0x10c: {  	v27 =	vld [tilespmem:s7+$0x380];
	_ =	sdelay $0x1  }
0x10d: {  	v17 =	vadd.f32 v18, v17;
	v14 =	vmul.f32 v14, v4;
	v12 =	vmul.f32 v12, v5  }
0x10e: {  	v52 =	vadd.f32 v21, v19;
	v13 =	vmul.f32 v13, v6;
	v15 =	vmul.f32 v15, v7  }
0x10f: {  	v53 =	vadd.f32 v22, v20;
	v16 =	vmul.f32 v16, v8;
	v54 =	vmul.f32 v25, v9  }
0x110: {  	v55 =	vadd.f32 v24, v23;
	v56 =	vmul.f32 v26, v10;
	v57 =	vmul.f32 v27, v11  }
0x111: {  	v12 =	vadd.f32 v12, v14;
	v13 =	vadd.f32 v15, v13  }
0x112: {  	s28 =	sadd.s32 $0x1, s28;
	v58 =	vadd.f32 v54, v16;
	v59 =	vadd.f32 v57, v56  }
0x113: {  	p0 =	sne.s32 s28, $0x10;
	v60 =	vadd.f32 v52, v17;
	v61 =	vadd.f32 v55, v53  }
.Ltmp2:
0x114: {  	v12 =	vadd.f32 v13, v12;
	v62 =	vadd.f32 v59, v58;
	(pc) =	sbr.rel @p0 .LBB2_4-.Ltmp2, $4  }
0x115: {  	s2 =	sadd.s32 s2, s6;
	v63 =	vadd.f32 v61, v60  }
0x116: {  	s0 =	sadd.s32 s0, s2;
	v12 =	vadd.f32 v62, v12  }
0x117: {  	s2 =	sadd.s32 s29, s2;
	[tilespmem:s0+$0x0] =	vst v63  }
0x118: {  	[tilespmem:s2+$0x0] =	vst v12  }
0x119: {  	s26 =	simm.s32 $0x0;
	s0 =	rddreg [dreg:$0x6]  }
0x11a: {  	[hbm4b:s0+s26] =	stream.linear.scatter [tilespmem:s21], [sflag:$0x3], $0x1000, $0x38;
	[tilespmem:$0x1E880] =	vst v63  }
0x11b: {  	v12 =	vld [tilespmem:$0x100];
	_ =	sdelay $0x4  }
0x11c: {  	v13 =	vshll.u32 v12, $0x1  }
0x11d: {  	v12 =	vand.u32 $0x7, v12;
	v13 =	vand.u32 $0xFFFFFFF0, v13  }
0x11e: {  	v12 =	vor.u32 v12, v13  }
0x11f: {  	v13 =	vperm.xlane v12, v0;
	_ =	sdelay $0x1  }
0x120: {  	v12 =	vperm.xlane v12, v3;
	v13 =	vadd.s32 v2, v13;
	_ =	sdelay $0x1  }
0x121: {  	v12 =	vadd.s32 v2, v12;
	_ =	sdelay $0x1  }
0x122: {  	s2 =	simm.s32 $0xC800  }
0x123: {  	[tilespmem:s2], [sflag:$0x1] =	stream.indirect_vreg.gather [hbm4b:s1+s26], $0x80, v13, vm0, $0xb8;
	[tilespmem:$0x1E880] =	vst v63  }
0x124: {  	s3 =	simm.s32 $0xD000  }
0x125: {  	[tilespmem:s3], [sflag:$0x1] =	stream.indirect_vreg.gather [hbm4b:s1+s26], $0x80, v12, vm0, $0xb8;
	[tilespmem:$0x1E880] =	vst v63  }
0x126: {  	v12 =	vld [tilespmem:$0x110];
	_ =	sdelay $0x4  }
0x127: {  	v57 =	vshll.u32 v12, $0x1  }
0x128: {  	v12 =	vand.u32 $0x7, v12;
	v13 =	vand.u32 $0xFFFFFFF0, v57  }
0x129: {  	v12 =	vor.u32 v12, v13  }
0x12a: {  	v13 =	vperm.xlane v12, v0;
	_ =	sdelay $0x1  }
0x12b: {  	v12 =	vperm.xlane v12, v3;
	v13 =	vadd.s32 v2, v13;
	_ =	sdelay $0x1  }
0x12c: {  	v12 =	vadd.s32 v2, v12;
	_ =	sdelay $0x1  }
0x12d: {  	s6 =	simm.s32 $0xD800  }
0x12e: {  	[tilespmem:s6], [sflag:$0x1] =	stream.indirect_vreg.gather [hbm4b:s1+s26], $0x80, v13, vm0, $0xb8;
	[tilespmem:$0x1E880] =	vst v63  }
0x12f: {  	s7 =	simm.s32 $0xE000  }
0x130: {  	[tilespmem:s7], [sflag:$0x1] =	stream.indirect_vreg.gather [hbm4b:s1+s26], $0x80, v12, vm0, $0xb8;
	[tilespmem:$0x1E880] =	vst v63  }
0x131: {  	v12 =	vld [tilespmem:$0x120];
	_ =	sdelay $0x4  }
0x132: {  	v58 =	vshll.u32 v12, $0x1  }
0x133: {  	v12 =	vand.u32 $0x7, v12;
	v13 =	vand.u32 $0xFFFFFFF0, v58  }
0x134: {  	v12 =	vor.u32 v12, v13  }
0x135: {  	v13 =	vperm.xlane v12, v0;
	_ =	sdelay $0x1  }
0x136: {  	v12 =	vperm.xlane v12, v3;
	v13 =	vadd.s32 v2, v13;
	_ =	sdelay $0x1  }
0x137: {  	v12 =	vadd.s32 v2, v12;
	_ =	sdelay $0x1  }
0x138: {  	s8 =	simm.s32 $0xE800  }
0x139: {  	[tilespmem:s8], [sflag:$0x1] =	stream.indirect_vreg.gather [hbm4b:s1+s26], $0x80, v13, vm0, $0xb8;
	[tilespmem:$0x1E880] =	vst v63  }
0x13a: {  	s10 =	simm.s32 $0xF000  }
0x13b: {  	[tilespmem:s10], [sflag:$0x1] =	stream.indirect_vreg.gather [hbm4b:s1+s26], $0x80, v12, vm0, $0xb8;
	[tilespmem:$0x1E880] =	vst v63  }
0x13c: {  	v12 =	vld [tilespmem:$0x130];
	_ =	sdelay $0x4  }
0x13d: {  	v59 =	vshll.u32 v12, $0x1  }
0x13e: {  	v12 =	vand.u32 $0x7, v12;
	v13 =	vand.u32 $0xFFFFFFF0, v59  }
0x13f: {  	v12 =	vor.u32 v12, v13  }
0x140: {  	v13 =	vperm.xlane v12, v0;
	_ =	sdelay $0x1  }
0x141: {  	v12 =	vperm.xlane v12, v3;
	v13 =	vadd.s32 v2, v13;
	_ =	sdelay $0x1  }
0x142: {  	v12 =	vadd.s32 v2, v12;
	_ =	sdelay $0x1  }
0x143: {  	s11 =	simm.s32 $0xF800  }
0x144: {  	[tilespmem:s11], [sflag:$0x1] =	stream.indirect_vreg.gather [hbm4b:s1+s26], $0x80, v13, vm0, $0xb8;
	[tilespmem:$0x1E880] =	vst v63  }
0x145: {  	s12 =	simm.s32 $0x10000  }
0x146: {  	[tilespmem:s12], [sflag:$0x1] =	stream.indirect_vreg.gather [hbm4b:s1+s26], $0x80, v12, vm0, $0xb8;
	[tilespmem:$0x1E880] =	vst v63  }
0x147: {  	v12 =	vld [tilespmem:$0x140];
	_ =	sdelay $0x4  }
0x148: {  	v60 =	vshll.u32 v12, $0x1  }
0x149: {  	v12 =	vand.u32 $0x7, v12;
	v13 =	vand.u32 $0xFFFFFFF0, v60  }
0x14a: {  	v12 =	vor.u32 v12, v13  }
0x14b: {  	v13 =	vperm.xlane v12, v0;
	_ =	sdelay $0x1  }
0x14c: {  	v12 =	vperm.xlane v12, v3;
	v13 =	vadd.s32 v2, v13;
	_ =	sdelay $0x1  }
0x14d: {  	v12 =	vadd.s32 v2, v12;
	_ =	sdelay $0x1  }
0x14e: {  	s13 =	simm.s32 $0x10800  }
0x14f: {  	[tilespmem:s13], [sflag:$0x1] =	stream.indirect_vreg.gather [hbm4b:s1+s26], $0x80, v13, vm0, $0xb8;
	[tilespmem:$0x1E880] =	vst v63  }
0x150: {  	s14 =	simm.s32 $0x11000  }
0x151: {  	[tilespmem:s14], [sflag:$0x1] =	stream.indirect_vreg.gather [hbm4b:s1+s26], $0x80, v12, vm0, $0xb8;
	[tilespmem:$0x1E880] =	vst v63  }
0x152: {  	v12 =	vld [tilespmem:$0x150];
	_ =	sdelay $0x4  }
0x153: {  	v61 =	vshll.u32 v12, $0x1  }
0x154: {  	v12 =	vand.u32 $0x7, v12;
	v13 =	vand.u32 $0xFFFFFFF0, v61  }
0x155: {  	v12 =	vor.u32 v12, v13  }
0x156: {  	v13 =	vperm.xlane v12, v0;
	_ =	sdelay $0x1  }
0x157: {  	v12 =	vperm.xlane v12, v3;
	v13 =	vadd.s32 v2, v13;
	_ =	sdelay $0x1  }
0x158: {  	v12 =	vadd.s32 v2, v12;
	_ =	sdelay $0x1  }
0x159: {  	s15 =	simm.s32 $0x11800  }
0x15a: {  	[tilespmem:s15], [sflag:$0x1] =	stream.indirect_vreg.gather [hbm4b:s1+s26], $0x80, v13, vm0, $0xb8;
	[tilespmem:$0x1E880] =	vst v63  }
0x15b: {  	s16 =	simm.s32 $0x12000  }
0x15c: {  	[tilespmem:s16], [sflag:$0x1] =	stream.indirect_vreg.gather [hbm4b:s1+s26], $0x80, v12, vm0, $0xb8;
	[tilespmem:$0x1E880] =	vst v63  }
0x15d: {  	v12 =	vld [tilespmem:$0x160];
	_ =	sdelay $0x4  }
0x15e: {  	v62 =	vshll.u32 v12, $0x1  }
0x15f: {  	v12 =	vand.u32 $0x7, v12;
	v13 =	vand.u32 $0xFFFFFFF0, v62  }
0x160: {  	v12 =	vor.u32 v12, v13  }
0x161: {  	v13 =	vperm.xlane v12, v0;
	_ =	sdelay $0x1  }
0x162: {  	v12 =	vperm.xlane v12, v3;
	v13 =	vadd.s32 v2, v13;
	_ =	sdelay $0x1  }
0x163: {  	v12 =	vadd.s32 v2, v12;
	_ =	sdelay $0x1  }
0x164: {  	s17 =	simm.s32 $0x12800  }
0x165: {  	[tilespmem:s17], [sflag:$0x1] =	stream.indirect_vreg.gather [hbm4b:s1+s26], $0x80, v13, vm0, $0xb8;
	[tilespmem:$0x1E880] =	vst v63  }
0x166: {  	s29 =	simm.s32 $0x13000  }
0x167: {  	[tilespmem:s29], [sflag:$0x1] =	stream.indirect_vreg.gather [hbm4b:s1+s26], $0x80, v12, vm0, $0xb8;
	[tilespmem:$0x1E880] =	vst v63  }
0x168: {  	v12 =	vld [tilespmem:$0x170];
	_ =	sdelay $0x4  }
0x169: {  	v63 =	vshll.u32 v12, $0x1  }
0x16a: {  	v12 =	vand.u32 $0x7, v12;
	v13 =	vand.u32 $0xFFFFFFF0, v63  }
0x16b: {  	v12 =	vor.u32 v12, v13  }
0x16c: {  	v13 =	vperm.xlane v12, v0;
	_ =	sdelay $0x1  }
0x16d: {  	v12 =	vperm.xlane v12, v3;
	v13 =	vadd.s32 v2, v13;
	_ =	sdelay $0x1  }
0x16e: {  	v12 =	vadd.s32 v2, v12;
	_ =	sdelay $0x1  }
0x16f: {  	s30 =	simm.s32 $0x13800  }
0x170: {  	[tilespmem:s30], [sflag:$0x1] =	stream.indirect_vreg.gather [hbm4b:s1+s26], $0x80, v13, vm0, $0xb8;
	[tilespmem:$0x1E880] =	vst v63  }
0x171: {  	s31 =	simm.s32 $0x14000  }
0x172: {  	[tilespmem:s31], [sflag:$0x1] =	stream.indirect_vreg.gather [hbm4b:s1+s26], $0x80, v12, vm0, $0xb8;
	[tilespmem:$0x1E880] =	vst v63  }
0x173: {  	_ =	swait.ge [sflag:s22], $0x8000  }
0x174: {  	[sflag:s22] =	ssyncset.done $0x0  }
0x175: {  	s28 =	simm.s32 $0x0;
	[sflag:s22] =	ssyncadd.s32 $0xFFFF8000  }
.LBB2_8:
0x176: {  	s0 =	sshll.u32 s28, $0xB  }
0x177: {  	s0 =	sand.u32 $0x3FFFF800, s0  }
0x178: {  	s29 =	sand.u32 $0x60, s26;
	s2 =	sand.u32 $0x400, s26;
	s13 =	sadd.s32 $0x14800, s0  }
0x179: {  	s0 =	sor.u32 $0x10, s29;
	s3 =	sadd.s32 s2, s13  }
0x17a: {  	s6 =	sadd.s32 s0, s3  }
0x17b: {  	v13 =	vld [tilespmem:s6+$0x0]  }
0x17c: {  	v15 =	vld [tilespmem:s6+$0x80]  }
0x17d: {  	v16 =	vld [tilespmem:s6+$0x100]  }
0x17e: {  	v20 =	vld [tilespmem:s6+$0x180]  }
0x17f: {  	v22 =	vld [tilespmem:s6+$0x200]  }
0x180: {  	v23 =	vld [tilespmem:s6+$0x280]  }
0x181: {  	v24 =	vld [tilespmem:s6+$0x300]  }
0x182: {  	s7 =	sadd.s32 s29, s3;
	v25 =	vld [tilespmem:s6+$0x380]  }
0x183: {  	v14 =	vld [tilespmem:s7+$0x0]  }
0x184: {  	s30 =	sshll.u32 s28, $0x8;
	s31 =	sshll.u32 s28, $0x7;
	v12 =	vld [tilespmem:s7+$0x80];
	v17 =	vmul.f32 v13, v4;
	v18 =	vmul.f32 v15, v5  }
0x185: {  	s3 =	sand.u32 $0x800, s30;
	s6 =	sand.u32 $0x380, s31;
	v13 =	vld [tilespmem:s7+$0x100];
	v19 =	vmul.f32 v16, v6;
	v21 =	vmul.f32 v20, v7  }
0x186: {  	s10 =	simm.s32 $0x0;
	s3 =	sor.u32 s6, s3;
	v15 =	vld [tilespmem:s7+$0x180];
	v20 =	vmul.f32 v22, v8;
	v22 =	vmul.f32 v23, v9  }
0x187: {  	s11 =	simm.s32 $0x100;
	s12 =	simm.s32 $0x20;
	s6 =	sadd.s32 $0x1D800, s3;
	v16 =	vld [tilespmem:s7+$0x200];
	v23 =	vmul.f32 v24, v10;
	v24 =	vmul.f32 v25, v11  }
.LBB2_9:
0x188: {  	s3 =	sand.u32 $0x60, s12;
	s8 =	sand.u32 $0x400, s11;
	v14 =	vmul.f32 v14, v4;
	v25 =	vld [tilespmem:s7+$0x280];
	v17 =	vadd.f32 v18, v17;
	v18 =	vadd.f32 v21, v19  }
0x189: {  	v20 =	vadd.f32 v22, v20;
	s14 =	sadd.s32 s8, s13;
	s30 =	sor.u32 $0x10, s3;
	v12 =	vmul.f32 v12, v5;
	v19 =	vld [tilespmem:s7+$0x300];
	v21 =	vadd.f32 v24, v23  }
0x18a: {  	s31 =	sadd.s32 s30, s14;
	v13 =	vmul.f32 v13, v6;
	v22 =	vld [tilespmem:s7+$0x380];
	s7 =	sadd.s32 s3, s14  }
0x18b: {  	v17 =	vadd.f32 v18, v17;
	v23 =	vld [tilespmem:s31+$0x0];
	v15 =	vmul.f32 v15, v7;
	v18 =	vadd.f32 v21, v20  }
0x18c: {  	v12 =	vadd.f32 v12, v14;
	v20 =	vld [tilespmem:s31+$0x80];
	v16 =	vmul.f32 v16, v8  }
0x18d: {  	s14 =	sadd.s32 s2, s6;
	s2 =	smov.u32 s8;
	v21 =	vld [tilespmem:s31+$0x100];
	v14 =	vmul.f32 v25, v9;
	v13 =	vadd.f32 v15, v13;
	v15 =	vadd.f32 v18, v17  }
0x18e: {  	s8 =	sadd.s32 s29, s14;
	s0 =	sadd.s32 s0, s14;
	s29 =	smov.u32 s3;
	v24 =	vld [tilespmem:s31+$0x180];
	v17 =	vmul.f32 v19, v10  }
0x18f: {  	s10 =	sadd.s32 $0x2, s10;
	v25 =	vld [tilespmem:s31+$0x200];
	v18 =	vmul.f32 v22, v11;
	v16 =	vadd.f32 v14, v16;
	v22 =	vadd.f32 v13, v12;
	[tilespmem:s0+$0x0] =	vst v15;
	s0 =	smov.u32 s30  }
0x190: {  	p0 =	slt.u32 s10, $0xE;
	v26 =	vld [tilespmem:s31+$0x280]  }
0x191: {  	v27 =	vld [tilespmem:s31+$0x300];
	v12 =	vadd.f32 v18, v17  }
0x192: {  	v28 =	vld [tilespmem:s31+$0x380]  }
.Ltmp3:
0x193: {  	v14 =	vld [tilespmem:s7+$0x0];
	v15 =	vadd.f32 v12, v16;
	(pc) =	sbr.rel @p0 .LBB2_9-.Ltmp3, $4  }
0x194: {  	v17 =	vmul.f32 v23, v4;
	v18 =	vmul.f32 v20, v5;
	v12 =	vld [tilespmem:s7+$0x80]  }
0x195: {  	v19 =	vmul.f32 v21, v6;
	v21 =	vmul.f32 v24, v7;
	v13 =	vld [tilespmem:s7+$0x100];
	v29 =	vadd.f32 v15, v22  }
0x196: {  	v20 =	vmul.f32 v25, v8;
	v22 =	vmul.f32 v26, v9;
	v15 =	vld [tilespmem:s7+$0x180]  }
0x197: {  	s11 =	sadd.s32 $0x100, s11;
	s12 =	sadd.s32 $0x20, s12;
	v23 =	vmul.f32 v27, v10;
	v16 =	vld [tilespmem:s7+$0x200];
	v24 =	vmul.f32 v28, v11;
	[tilespmem:s8+$0x0] =	vst v29  }
0x198: {  	v25 =	vld [tilespmem:s7+$0x280]  }
0x199: {  	v26 =	vld [tilespmem:s7+$0x300]  }
0x19a: {  	v27 =	vld [tilespmem:s7+$0x380];
	_ =	sdelay $0x1  }
0x19b: {  	v17 =	vadd.f32 v18, v17;
	v14 =	vmul.f32 v14, v4;
	v12 =	vmul.f32 v12, v5  }
0x19c: {  	v52 =	vadd.f32 v21, v19;
	v13 =	vmul.f32 v13, v6;
	v15 =	vmul.f32 v15, v7  }
0x19d: {  	v53 =	vadd.f32 v22, v20;
	v16 =	vmul.f32 v16, v8;
	v54 =	vmul.f32 v25, v9  }
0x19e: {  	v55 =	vadd.f32 v24, v23;
	v56 =	vmul.f32 v26, v10;
	v57 =	vmul.f32 v27, v11  }
0x19f: {  	v12 =	vadd.f32 v12, v14;
	v13 =	vadd.f32 v15, v13  }
0x1a0: {  	s28 =	sadd.s32 $0x1, s28;
	v58 =	vadd.f32 v54, v16;
	v59 =	vadd.f32 v57, v56  }
0x1a1: {  	p0 =	sne.s32 s28, $0x10;
	v60 =	vadd.f32 v52, v17;
	v61 =	vadd.f32 v55, v53  }
.Ltmp4:
0x1a2: {  	v12 =	vadd.f32 v13, v12;
	v62 =	vadd.f32 v59, v58;
	(pc) =	sbr.rel @p0 .LBB2_8-.Ltmp4, $4  }
0x1a3: {  	s2 =	sadd.s32 s2, s6;
	v63 =	vadd.f32 v61, v60  }
0x1a4: {  	s0 =	sadd.s32 s0, s2;
	v12 =	vadd.f32 v62, v12  }
0x1a5: {  	s2 =	sadd.s32 s29, s2;
	[tilespmem:s0+$0x0] =	vst v63  }
0x1a6: {  	[tilespmem:s2+$0x0] =	vst v12  }
0x1a7: {  	[hbm4b:s9+s4] =	stream.linear.scatter [tilespmem:s23], [sflag:$0x4], $0x1000, $0x38;
	[tilespmem:$0x1E880] =	vst v63  }
0x1a8: {  	v12 =	vld [tilespmem:$0x180];
	_ =	sdelay $0x4  }
0x1a9: {  	v13 =	vshll.u32 v12, $0x1  }
0x1aa: {  	v12 =	vand.u32 $0x7, v12;
	v13 =	vand.u32 $0xFFFFFFF0, v13  }
0x1ab: {  	v12 =	vor.u32 v12, v13  }
0x1ac: {  	v13 =	vperm.xlane v12, v0;
	_ =	sdelay $0x1  }
0x1ad: {  	v12 =	vperm.xlane v12, v3;
	v13 =	vadd.s32 v2, v13;
	_ =	sdelay $0x1  }
0x1ae: {  	v12 =	vadd.s32 v2, v12;
	_ =	sdelay $0x1  }
0x1af: {  	s0 =	simm.s32 $0x14800  }
0x1b0: {  	[tilespmem:s0], [sflag:$0x2] =	stream.indirect_vreg.gather [hbm4b:s1+s4], $0x80, v13, vm0, $0xb8;
	[tilespmem:$0x1E880] =	vst v63  }
0x1b1: {  	s10 =	simm.s32 $0x15000  }
0x1b2: {  	[tilespmem:s10], [sflag:$0x2] =	stream.indirect_vreg.gather [hbm4b:s1+s4], $0x80, v12, vm0, $0xb8;
	[tilespmem:$0x1E880] =	vst v63  }
0x1b3: {  	v12 =	vld [tilespmem:$0x190];
	_ =	sdelay $0x4  }
0x1b4: {  	v57 =	vshll.u32 v12, $0x1  }
0x1b5: {  	v12 =	vand.u32 $0x7, v12;
	v13 =	vand.u32 $0xFFFFFFF0, v57  }
0x1b6: {  	v12 =	vor.u32 v12, v13  }
0x1b7: {  	v13 =	vperm.xlane v12, v0;
	_ =	sdelay $0x1  }
0x1b8: {  	v12 =	vperm.xlane v12, v3;
	v13 =	vadd.s32 v2, v13;
	_ =	sdelay $0x1  }
0x1b9: {  	v12 =	vadd.s32 v2, v12;
	_ =	sdelay $0x1  }
0x1ba: {  	s11 =	simm.s32 $0x15800  }
0x1bb: {  	[tilespmem:s11], [sflag:$0x2] =	stream.indirect_vreg.gather [hbm4b:s1+s4], $0x80, v13, vm0, $0xb8;
	[tilespmem:$0x1E880] =	vst v63  }
0x1bc: {  	s12 =	simm.s32 $0x16000  }
0x1bd: {  	[tilespmem:s12], [sflag:$0x2] =	stream.indirect_vreg.gather [hbm4b:s1+s4], $0x80, v12, vm0, $0xb8;
	[tilespmem:$0x1E880] =	vst v63  }
0x1be: {  	v12 =	vld [tilespmem:$0x1A0];
	_ =	sdelay $0x4  }
0x1bf: {  	v58 =	vshll.u32 v12, $0x1  }
0x1c0: {  	v12 =	vand.u32 $0x7, v12;
	v13 =	vand.u32 $0xFFFFFFF0, v58  }
0x1c1: {  	v12 =	vor.u32 v12, v13  }
0x1c2: {  	v13 =	vperm.xlane v12, v0;
	_ =	sdelay $0x1  }
0x1c3: {  	v12 =	vperm.xlane v12, v3;
	v13 =	vadd.s32 v2, v13;
	_ =	sdelay $0x1  }
0x1c4: {  	v12 =	vadd.s32 v2, v12;
	_ =	sdelay $0x1  }
0x1c5: {  	s13 =	simm.s32 $0x16800  }
0x1c6: {  	[tilespmem:s13], [sflag:$0x2] =	stream.indirect_vreg.gather [hbm4b:s1+s4], $0x80, v13, vm0, $0xb8;
	[tilespmem:$0x1E880] =	vst v63  }
0x1c7: {  	s14 =	simm.s32 $0x17000  }
0x1c8: {  	[tilespmem:s14], [sflag:$0x2] =	stream.indirect_vreg.gather [hbm4b:s1+s4], $0x80, v12, vm0, $0xb8;
	[tilespmem:$0x1E880] =	vst v63  }
0x1c9: {  	v12 =	vld [tilespmem:$0x1B0];
	_ =	sdelay $0x4  }
0x1ca: {  	v59 =	vshll.u32 v12, $0x1  }
0x1cb: {  	v12 =	vand.u32 $0x7, v12;
	v13 =	vand.u32 $0xFFFFFFF0, v59  }
0x1cc: {  	v12 =	vor.u32 v12, v13  }
0x1cd: {  	v13 =	vperm.xlane v12, v0;
	_ =	sdelay $0x1  }
0x1ce: {  	v12 =	vperm.xlane v12, v3;
	v13 =	vadd.s32 v2, v13;
	_ =	sdelay $0x1  }
0x1cf: {  	v12 =	vadd.s32 v2, v12;
	_ =	sdelay $0x1  }
0x1d0: {  	s15 =	simm.s32 $0x17800  }
0x1d1: {  	[tilespmem:s15], [sflag:$0x2] =	stream.indirect_vreg.gather [hbm4b:s1+s4], $0x80, v13, vm0, $0xb8;
	[tilespmem:$0x1E880] =	vst v63  }
0x1d2: {  	s16 =	simm.s32 $0x18000  }
0x1d3: {  	[tilespmem:s16], [sflag:$0x2] =	stream.indirect_vreg.gather [hbm4b:s1+s4], $0x80, v12, vm0, $0xb8;
	[tilespmem:$0x1E880] =	vst v63  }
0x1d4: {  	v12 =	vld [tilespmem:$0x1C0];
	_ =	sdelay $0x4  }
0x1d5: {  	v60 =	vshll.u32 v12, $0x1  }
0x1d6: {  	v12 =	vand.u32 $0x7, v12;
	v13 =	vand.u32 $0xFFFFFFF0, v60  }
0x1d7: {  	v12 =	vor.u32 v12, v13  }
0x1d8: {  	v13 =	vperm.xlane v12, v0;
	_ =	sdelay $0x1  }
0x1d9: {  	v12 =	vperm.xlane v12, v3;
	v13 =	vadd.s32 v2, v13;
	_ =	sdelay $0x1  }
0x1da: {  	v12 =	vadd.s32 v2, v12;
	_ =	sdelay $0x1  }
0x1db: {  	s17 =	simm.s32 $0x18800  }
0x1dc: {  	[tilespmem:s17], [sflag:$0x2] =	stream.indirect_vreg.gather [hbm4b:s1+s4], $0x80, v13, vm0, $0xb8;
	[tilespmem:$0x1E880] =	vst v63  }
0x1dd: {  	s26 =	simm.s32 $0x19000  }
0x1de: {  	[tilespmem:s26], [sflag:$0x2] =	stream.indirect_vreg.gather [hbm4b:s1+s4], $0x80, v12, vm0, $0xb8;
	[tilespmem:$0x1E880] =	vst v63  }
0x1df: {  	v12 =	vld [tilespmem:$0x1D0];
	_ =	sdelay $0x4  }
0x1e0: {  	v61 =	vshll.u32 v12, $0x1  }
0x1e1: {  	v12 =	vand.u32 $0x7, v12;
	v13 =	vand.u32 $0xFFFFFFF0, v61  }
0x1e2: {  	v12 =	vor.u32 v12, v13  }
0x1e3: {  	v13 =	vperm.xlane v12, v0;
	_ =	sdelay $0x1  }
0x1e4: {  	v12 =	vperm.xlane v12, v3;
	v13 =	vadd.s32 v2, v13;
	_ =	sdelay $0x1  }
0x1e5: {  	v12 =	vadd.s32 v2, v12;
	_ =	sdelay $0x1  }
0x1e6: {  	s28 =	simm.s32 $0x19800  }
0x1e7: {  	[tilespmem:s28], [sflag:$0x2] =	stream.indirect_vreg.gather [hbm4b:s1+s4], $0x80, v13, vm0, $0xb8;
	[tilespmem:$0x1E880] =	vst v63  }
0x1e8: {  	s29 =	simm.s32 $0x1A000  }
0x1e9: {  	[tilespmem:s29], [sflag:$0x2] =	stream.indirect_vreg.gather [hbm4b:s1+s4], $0x80, v12, vm0, $0xb8;
	[tilespmem:$0x1E880] =	vst v63  }
0x1ea: {  	v12 =	vld [tilespmem:$0x1E0];
	_ =	sdelay $0x4  }
0x1eb: {  	v62 =	vshll.u32 v12, $0x1  }
0x1ec: {  	v12 =	vand.u32 $0x7, v12;
	v13 =	vand.u32 $0xFFFFFFF0, v62  }
0x1ed: {  	v12 =	vor.u32 v12, v13  }
0x1ee: {  	v13 =	vperm.xlane v12, v0;
	_ =	sdelay $0x1  }
0x1ef: {  	v12 =	vperm.xlane v12, v3;
	v13 =	vadd.s32 v2, v13;
	_ =	sdelay $0x1  }
0x1f0: {  	v12 =	vadd.s32 v2, v12;
	_ =	sdelay $0x1  }
0x1f1: {  	s30 =	simm.s32 $0x1A800  }
0x1f2: {  	[tilespmem:s30], [sflag:$0x2] =	stream.indirect_vreg.gather [hbm4b:s1+s4], $0x80, v13, vm0, $0xb8;
	[tilespmem:$0x1E880] =	vst v63  }
0x1f3: {  	s31 =	simm.s32 $0x1B000  }
0x1f4: {  	[tilespmem:s31], [sflag:$0x2] =	stream.indirect_vreg.gather [hbm4b:s1+s4], $0x80, v12, vm0, $0xb8;
	[tilespmem:$0x1E880] =	vst v63  }
0x1f5: {  	v12 =	vld [tilespmem:$0x1F0];
	_ =	sdelay $0x4  }
0x1f6: {  	v63 =	vshll.u32 v12, $0x1  }
0x1f7: {  	v12 =	vand.u32 $0x7, v12;
	v13 =	vand.u32 $0xFFFFFFF0, v63  }
0x1f8: {  	v12 =	vor.u32 v12, v13  }
0x1f9: {  	v13 =	vperm.xlane v12, v0;
	_ =	sdelay $0x1  }
0x1fa: {  	v12 =	vperm.xlane v12, v3;
	v13 =	vadd.s32 v2, v13;
	_ =	sdelay $0x1  }
0x1fb: {  	v12 =	vadd.s32 v2, v12;
	_ =	sdelay $0x2  }
0x1fc: {  	[tilespmem:s18], [sflag:$0x2] =	stream.indirect_vreg.gather [hbm4b:s1+s4], $0x80, v13, vm0, $0xb8;
	[tilespmem:$0x1E880] =	vst v63  }
0x1fd: {  	s26 =	simm.s32 $0x1  }
0x1fe: {  	[tilespmem:s19], [sflag:$0x2] =	stream.indirect_vreg.gather [hbm4b:s1+s4], $0x80, v12, vm0, $0xb8;
	[tilespmem:$0x1E880] =	vst v63  }
.LBB2_12:
0x1ff: {  	_ =	swait.ge [sflag:s20], $0x8000  }
0x200: {  	[sflag:s20] =	ssyncset.done $0x0  }
0x201: {  	[sflag:s20] =	ssyncadd.s32 $0xFFFF8000  }
0x202: {  	_ =	swait.ge [sflag:s24], $0x1000  }
0x203: {  	[sflag:s24] =	ssyncset.done $0x0  }
0x204: {  	s28 =	simm.s32 $0x0;
	s29 =	simm.s32 $0x0;
	[sflag:s24] =	ssyncadd.s32 $0xFFFFF000  }
.LBB2_13:
0x205: {  	s0 =	sshll.u32 s29, $0xB  }
0x206: {  	s0 =	sand.u32 $0x3FFFF800, s0  }
0x207: {  	s30 =	sand.u32 $0x60, s28;
	s2 =	sand.u32 $0x400, s28;
	s13 =	sadd.s32 $0xC800, s0  }
0x208: {  	s0 =	sor.u32 $0x10, s30;
	s3 =	sadd.s32 s2, s13  }
0x209: {  	s6 =	sadd.s32 s0, s3  }
0x20a: {  	v13 =	vld [tilespmem:s6+$0x0]  }
0x20b: {  	v15 =	vld [tilespmem:s6+$0x80]  }
0x20c: {  	v16 =	vld [tilespmem:s6+$0x100]  }
0x20d: {  	v20 =	vld [tilespmem:s6+$0x180]  }
0x20e: {  	v22 =	vld [tilespmem:s6+$0x200]  }
0x20f: {  	v23 =	vld [tilespmem:s6+$0x280]  }
0x210: {  	v24 =	vld [tilespmem:s6+$0x300]  }
0x211: {  	s7 =	sadd.s32 s30, s3;
	v25 =	vld [tilespmem:s6+$0x380]  }
0x212: {  	v14 =	vld [tilespmem:s7+$0x0]  }
0x213: {  	s17 =	sshll.u32 s29, $0x8;
	s31 =	sshll.u32 s29, $0x7;
	v12 =	vld [tilespmem:s7+$0x80];
	v17 =	vmul.f32 v13, v4;
	v18 =	vmul.f32 v15, v5  }
0x214: {  	s3 =	sand.u32 $0x800, s17;
	s6 =	sand.u32 $0x380, s31;
	v13 =	vld [tilespmem:s7+$0x100];
	v19 =	vmul.f32 v16, v6;
	v21 =	vmul.f32 v20, v7  }
0x215: {  	s10 =	simm.s32 $0x0;
	s3 =	sor.u32 s6, s3;
	v15 =	vld [tilespmem:s7+$0x180];
	v20 =	vmul.f32 v22, v8;
	v22 =	vmul.f32 v23, v9  }
0x216: {  	s11 =	simm.s32 $0x100;
	s12 =	simm.s32 $0x20;
	s6 =	sadd.s32 $0x1C800, s3;
	v16 =	vld [tilespmem:s7+$0x200];
	v23 =	vmul.f32 v24, v10;
	v24 =	vmul.f32 v25, v11  }
.LBB2_14:
0x217: {  	s3 =	sand.u32 $0x60, s12;
	s8 =	sand.u32 $0x400, s11;
	v14 =	vmul.f32 v14, v4;
	v25 =	vld [tilespmem:s7+$0x280];
	v17 =	vadd.f32 v18, v17;
	v18 =	vadd.f32 v21, v19  }
0x218: {  	v20 =	vadd.f32 v22, v20;
	s14 =	sadd.s32 s8, s13;
	s31 =	sor.u32 $0x10, s3;
	v12 =	vmul.f32 v12, v5;
	v19 =	vld [tilespmem:s7+$0x300];
	v21 =	vadd.f32 v24, v23  }
0x219: {  	s15 =	sadd.s32 s31, s14;
	v13 =	vmul.f32 v13, v6;
	v22 =	vld [tilespmem:s7+$0x380];
	s7 =	sadd.s32 s3, s14  }
0x21a: {  	v17 =	vadd.f32 v18, v17;
	v23 =	vld [tilespmem:s15+$0x0];
	v15 =	vmul.f32 v15, v7;
	v18 =	vadd.f32 v21, v20  }
0x21b: {  	v12 =	vadd.f32 v12, v14;
	v20 =	vld [tilespmem:s15+$0x80];
	v16 =	vmul.f32 v16, v8  }
0x21c: {  	s14 =	sadd.s32 s2, s6;
	s2 =	smov.u32 s8;
	v21 =	vld [tilespmem:s15+$0x100];
	v14 =	vmul.f32 v25, v9;
	v13 =	vadd.f32 v15, v13;
	v15 =	vadd.f32 v18, v17  }
0x21d: {  	s8 =	sadd.s32 s30, s14;
	s0 =	sadd.s32 s0, s14;
	s30 =	smov.u32 s3;
	v24 =	vld [tilespmem:s15+$0x180];
	v17 =	vmul.f32 v19, v10  }
0x21e: {  	s10 =	sadd.s32 $0x2, s10;
	v25 =	vld [tilespmem:s15+$0x200];
	v18 =	vmul.f32 v22, v11;
	v16 =	vadd.f32 v14, v16;
	v22 =	vadd.f32 v13, v12;
	[tilespmem:s0+$0x0] =	vst v15;
	s0 =	smov.u32 s31  }
0x21f: {  	p0 =	slt.u32 s10, $0xE;
	v26 =	vld [tilespmem:s15+$0x280]  }
0x220: {  	v27 =	vld [tilespmem:s15+$0x300];
	v12 =	vadd.f32 v18, v17  }
0x221: {  	v28 =	vld [tilespmem:s15+$0x380]  }
.Ltmp5:
0x222: {  	v14 =	vld [tilespmem:s7+$0x0];
	v15 =	vadd.f32 v12, v16;
	(pc) =	sbr.rel @p0 .LBB2_14-.Ltmp5, $4  }
0x223: {  	v17 =	vmul.f32 v23, v4;
	v18 =	vmul.f32 v20, v5;
	v12 =	vld [tilespmem:s7+$0x80]  }
0x224: {  	v19 =	vmul.f32 v21, v6;
	v21 =	vmul.f32 v24, v7;
	v13 =	vld [tilespmem:s7+$0x100];
	v29 =	vadd.f32 v15, v22  }
0x225: {  	v20 =	vmul.f32 v25, v8;
	v22 =	vmul.f32 v26, v9;
	v15 =	vld [tilespmem:s7+$0x180]  }
0x226: {  	s11 =	sadd.s32 $0x100, s11;
	s12 =	sadd.s32 $0x20, s12;
	v23 =	vmul.f32 v27, v10;
	v16 =	vld [tilespmem:s7+$0x200];
	v24 =	vmul.f32 v28, v11;
	[tilespmem:s8+$0x0] =	vst v29  }
0x227: {  	v25 =	vld [tilespmem:s7+$0x280]  }
0x228: {  	v26 =	vld [tilespmem:s7+$0x300]  }
0x229: {  	v27 =	vld [tilespmem:s7+$0x380];
	_ =	sdelay $0x1  }
0x22a: {  	v17 =	vadd.f32 v18, v17;
	v14 =	vmul.f32 v14, v4;
	v12 =	vmul.f32 v12, v5  }
0x22b: {  	v52 =	vadd.f32 v21, v19;
	v13 =	vmul.f32 v13, v6;
	v15 =	vmul.f32 v15, v7  }
0x22c: {  	v53 =	vadd.f32 v22, v20;
	v16 =	vmul.f32 v16, v8;
	v54 =	vmul.f32 v25, v9  }
0x22d: {  	v55 =	vadd.f32 v24, v23;
	v56 =	vmul.f32 v26, v10;
	v57 =	vmul.f32 v27, v11  }
0x22e: {  	v12 =	vadd.f32 v12, v14;
	v13 =	vadd.f32 v15, v13  }
0x22f: {  	s29 =	sadd.s32 $0x1, s29;
	v58 =	vadd.f32 v54, v16;
	v59 =	vadd.f32 v57, v56  }
0x230: {  	p0 =	sne.s32 s29, $0x10;
	v60 =	vadd.f32 v52, v17;
	v61 =	vadd.f32 v55, v53  }
.Ltmp6:
0x231: {  	v12 =	vadd.f32 v13, v12;
	v62 =	vadd.f32 v59, v58;
	(pc) =	sbr.rel @p0 .LBB2_13-.Ltmp6, $4  }
0x232: {  	s2 =	sadd.s32 s2, s6;
	v63 =	vadd.f32 v61, v60  }
0x233: {  	s0 =	sadd.s32 s0, s2;
	v12 =	vadd.f32 v62, v12  }
0x234: {  	s2 =	sadd.s32 s30, s2;
	[tilespmem:s0+$0x0] =	vst v63  }
0x235: {  	[tilespmem:s2+$0x0] =	vst v12  }
0x236: {  	s0 =	sshll.u32 s26, $0xD  }
0x237: {  	s0 =	sadd.s32 s5, s0  }
0x238: {  	s2 =	rddreg [dreg:$0x2];
	s30 =	sshll.u32 s26, $0xA;
	s0 =	sshrl.u32 s0, $0x3  }
0x239: {  	s29 =	simm.s32 $0x0;
	s28 =	sshra.s32 s30, $0x2;
	s0 =	sadd.s32 s2, s0  }
0x23a: {  	[hbm4b:s0+s29] =	stream.linear.scatter [tilespmem:s21], [sflag:$0x3], $0x1000, $0x38;
	[tilespmem:$0x1E880] =	vst v63  }
0x23b: {  	v12 =	vld [tilespmem:s28+$0x100];
	_ =	sdelay $0x4  }
0x23c: {  	v13 =	vshll.u32 v12, $0x1  }
0x23d: {  	v12 =	vand.u32 $0x7, v12;
	v13 =	vand.u32 $0xFFFFFFF0, v13  }
0x23e: {  	v12 =	vor.u32 v12, v13  }
0x23f: {  	v13 =	vperm.xlane v12, v0;
	_ =	sdelay $0x1  }
0x240: {  	v12 =	vperm.xlane v12, v3;
	v13 =	vadd.s32 v2, v13;
	_ =	sdelay $0x1  }
0x241: {  	v12 =	vadd.s32 v2, v12;
	_ =	sdelay $0x1  }
0x242: {  	s15 =	simm.s32 $0xC800  }
0x243: {  	[tilespmem:s15], [sflag:$0x1] =	stream.indirect_vreg.gather [hbm4b:s1+s29], $0x80, v13, vm0, $0xb8;
	[tilespmem:$0x1E880] =	vst v63  }
0x244: {  	s16 =	simm.s32 $0xD000  }
0x245: {  	[tilespmem:s16], [sflag:$0x1] =	stream.indirect_vreg.gather [hbm4b:s1+s29], $0x80, v12, vm0, $0xb8;
	[tilespmem:$0x1E880] =	vst v63  }
0x246: {  	v12 =	vld [tilespmem:s28+$0x110];
	_ =	sdelay $0x4  }
0x247: {  	v57 =	vshll.u32 v12, $0x1  }
0x248: {  	v12 =	vand.u32 $0x7, v12;
	v13 =	vand.u32 $0xFFFFFFF0, v57  }
0x249: {  	v12 =	vor.u32 v12, v13  }
0x24a: {  	v13 =	vperm.xlane v12, v0;
	_ =	sdelay $0x1  }
0x24b: {  	v12 =	vperm.xlane v12, v3;
	v13 =	vadd.s32 v2, v13;
	_ =	sdelay $0x1  }
0x24c: {  	v12 =	vadd.s32 v2, v12;
	_ =	sdelay $0x1  }
0x24d: {  	s17 =	simm.s32 $0xD800  }
0x24e: {  	[tilespmem:s17], [sflag:$0x1] =	stream.indirect_vreg.gather [hbm4b:s1+s29], $0x80, v13, vm0, $0xb8;
	[tilespmem:$0x1E880] =	vst v63  }
0x24f: {  	s2 =	simm.s32 $0xE000  }
0x250: {  	[tilespmem:s2], [sflag:$0x1] =	stream.indirect_vreg.gather [hbm4b:s1+s29], $0x80, v12, vm0, $0xb8;
	[tilespmem:$0x1E880] =	vst v63  }
0x251: {  	v12 =	vld [tilespmem:s28+$0x120];
	_ =	sdelay $0x4  }
0x252: {  	v58 =	vshll.u32 v12, $0x1  }
0x253: {  	v12 =	vand.u32 $0x7, v12;
	v13 =	vand.u32 $0xFFFFFFF0, v58  }
0x254: {  	v12 =	vor.u32 v12, v13  }
0x255: {  	v13 =	vperm.xlane v12, v0;
	_ =	sdelay $0x1  }
0x256: {  	v12 =	vperm.xlane v12, v3;
	v13 =	vadd.s32 v2, v13;
	_ =	sdelay $0x1  }
0x257: {  	v12 =	vadd.s32 v2, v12;
	_ =	sdelay $0x1  }
0x258: {  	s3 =	simm.s32 $0xE800  }
0x259: {  	[tilespmem:s3], [sflag:$0x1] =	stream.indirect_vreg.gather [hbm4b:s1+s29], $0x80, v13, vm0, $0xb8;
	[tilespmem:$0x1E880] =	vst v63  }
0x25a: {  	s6 =	simm.s32 $0xF000  }
0x25b: {  	[tilespmem:s6], [sflag:$0x1] =	stream.indirect_vreg.gather [hbm4b:s1+s29], $0x80, v12, vm0, $0xb8;
	[tilespmem:$0x1E880] =	vst v63  }
0x25c: {  	v12 =	vld [tilespmem:s28+$0x130];
	_ =	sdelay $0x4  }
0x25d: {  	v59 =	vshll.u32 v12, $0x1  }
0x25e: {  	v12 =	vand.u32 $0x7, v12;
	v13 =	vand.u32 $0xFFFFFFF0, v59  }
0x25f: {  	v12 =	vor.u32 v12, v13  }
0x260: {  	v13 =	vperm.xlane v12, v0;
	_ =	sdelay $0x1  }
0x261: {  	v12 =	vperm.xlane v12, v3;
	v13 =	vadd.s32 v2, v13;
	_ =	sdelay $0x1  }
0x262: {  	v12 =	vadd.s32 v2, v12;
	_ =	sdelay $0x1  }
0x263: {  	s7 =	simm.s32 $0xF800  }
0x264: {  	[tilespmem:s7], [sflag:$0x1] =	stream.indirect_vreg.gather [hbm4b:s1+s29], $0x80, v13, vm0, $0xb8;
	[tilespmem:$0x1E880] =	vst v63  }
0x265: {  	s8 =	simm.s32 $0x10000  }
0x266: {  	[tilespmem:s8], [sflag:$0x1] =	stream.indirect_vreg.gather [hbm4b:s1+s29], $0x80, v12, vm0, $0xb8;
	[tilespmem:$0x1E880] =	vst v63  }
0x267: {  	v12 =	vld [tilespmem:s28+$0x140];
	_ =	sdelay $0x4  }
0x268: {  	v60 =	vshll.u32 v12, $0x1  }
0x269: {  	v12 =	vand.u32 $0x7, v12;
	v13 =	vand.u32 $0xFFFFFFF0, v60  }
0x26a: {  	v12 =	vor.u32 v12, v13  }
0x26b: {  	v13 =	vperm.xlane v12, v0;
	_ =	sdelay $0x1  }
0x26c: {  	v12 =	vperm.xlane v12, v3;
	v13 =	vadd.s32 v2, v13;
	_ =	sdelay $0x1  }
0x26d: {  	v12 =	vadd.s32 v2, v12;
	_ =	sdelay $0x1  }
0x26e: {  	s10 =	simm.s32 $0x10800  }
0x26f: {  	[tilespmem:s10], [sflag:$0x1] =	stream.indirect_vreg.gather [hbm4b:s1+s29], $0x80, v13, vm0, $0xb8;
	[tilespmem:$0x1E880] =	vst v63  }
0x270: {  	s11 =	simm.s32 $0x11000  }
0x271: {  	[tilespmem:s11], [sflag:$0x1] =	stream.indirect_vreg.gather [hbm4b:s1+s29], $0x80, v12, vm0, $0xb8;
	[tilespmem:$0x1E880] =	vst v63  }
0x272: {  	v12 =	vld [tilespmem:s28+$0x150];
	_ =	sdelay $0x4  }
0x273: {  	v61 =	vshll.u32 v12, $0x1  }
0x274: {  	v12 =	vand.u32 $0x7, v12;
	v13 =	vand.u32 $0xFFFFFFF0, v61  }
0x275: {  	v12 =	vor.u32 v12, v13  }
0x276: {  	v13 =	vperm.xlane v12, v0;
	_ =	sdelay $0x1  }
0x277: {  	v12 =	vperm.xlane v12, v3;
	v13 =	vadd.s32 v2, v13;
	_ =	sdelay $0x1  }
0x278: {  	v12 =	vadd.s32 v2, v12;
	_ =	sdelay $0x1  }
0x279: {  	s12 =	simm.s32 $0x11800  }
0x27a: {  	[tilespmem:s12], [sflag:$0x1] =	stream.indirect_vreg.gather [hbm4b:s1+s29], $0x80, v13, vm0, $0xb8;
	[tilespmem:$0x1E880] =	vst v63  }
0x27b: {  	s13 =	simm.s32 $0x12000  }
0x27c: {  	[tilespmem:s13], [sflag:$0x1] =	stream.indirect_vreg.gather [hbm4b:s1+s29], $0x80, v12, vm0, $0xb8;
	[tilespmem:$0x1E880] =	vst v63  }
0x27d: {  	v12 =	vld [tilespmem:s28+$0x160];
	_ =	sdelay $0x4  }
0x27e: {  	v62 =	vshll.u32 v12, $0x1  }
0x27f: {  	v12 =	vand.u32 $0x7, v12;
	v13 =	vand.u32 $0xFFFFFFF0, v62  }
0x280: {  	v12 =	vor.u32 v12, v13  }
0x281: {  	v13 =	vperm.xlane v12, v0;
	_ =	sdelay $0x1  }
0x282: {  	v12 =	vperm.xlane v12, v3;
	v13 =	vadd.s32 v2, v13;
	_ =	sdelay $0x1  }
0x283: {  	v12 =	vadd.s32 v2, v12;
	_ =	sdelay $0x1  }
0x284: {  	s14 =	simm.s32 $0x12800  }
0x285: {  	[tilespmem:s14], [sflag:$0x1] =	stream.indirect_vreg.gather [hbm4b:s1+s29], $0x80, v13, vm0, $0xb8;
	[tilespmem:$0x1E880] =	vst v63  }
0x286: {  	s15 =	simm.s32 $0x13000  }
0x287: {  	[tilespmem:s15], [sflag:$0x1] =	stream.indirect_vreg.gather [hbm4b:s1+s29], $0x80, v12, vm0, $0xb8;
	[tilespmem:$0x1E880] =	vst v63  }
0x288: {  	v12 =	vld [tilespmem:s28+$0x170];
	_ =	sdelay $0x4  }
0x289: {  	v63 =	vshll.u32 v12, $0x1  }
0x28a: {  	v12 =	vand.u32 $0x7, v12;
	v13 =	vand.u32 $0xFFFFFFF0, v63  }
0x28b: {  	v12 =	vor.u32 v12, v13  }
0x28c: {  	v13 =	vperm.xlane v12, v0;
	_ =	sdelay $0x1  }
0x28d: {  	v12 =	vperm.xlane v12, v3;
	v13 =	vadd.s32 v2, v13;
	_ =	sdelay $0x1  }
0x28e: {  	v12 =	vadd.s32 v2, v12;
	_ =	sdelay $0x1  }
0x28f: {  	s16 =	simm.s32 $0x13800  }
0x290: {  	[tilespmem:s16], [sflag:$0x1] =	stream.indirect_vreg.gather [hbm4b:s1+s29], $0x80, v13, vm0, $0xb8;
	[tilespmem:$0x1E880] =	vst v63  }
0x291: {  	s17 =	simm.s32 $0x14000  }
0x292: {  	[tilespmem:s17], [sflag:$0x1] =	stream.indirect_vreg.gather [hbm4b:s1+s29], $0x80, v12, vm0, $0xb8;
	[tilespmem:$0x1E880] =	vst v63  }
0x293: {  	_ =	swait.ge [sflag:s22], $0x8000  }
0x294: {  	[sflag:s22] =	ssyncset.done $0x0  }
0x295: {  	[sflag:s22] =	ssyncadd.s32 $0xFFFF8000  }
0x296: {  	_ =	swait.ge [sflag:s25], $0x1000  }
0x297: {  	[sflag:s25] =	ssyncset.done $0x0  }
0x298: {  	s31 =	simm.s32 $0x0;
	[sflag:s25] =	ssyncadd.s32 $0xFFFFF000  }
.LBB2_17:
0x299: {  	s0 =	sshll.u32 s31, $0xB  }
0x29a: {  	s0 =	sand.u32 $0x3FFFF800, s0  }
0x29b: {  	s2 =	sand.u32 $0x60, s29;
	s6 =	sadd.s32 $0x14800, s0;
	s0 =	sand.u32 $0x400, s29  }
0x29c: {  	s13 =	sor.u32 $0x10, s2;
	s3 =	sadd.s32 s0, s6  }
0x29d: {  	s7 =	sadd.s32 s13, s3  }
0x29e: {  	v13 =	vld [tilespmem:s7+$0x0]  }
0x29f: {  	v15 =	vld [tilespmem:s7+$0x80]  }
0x2a0: {  	v16 =	vld [tilespmem:s7+$0x100]  }
0x2a1: {  	v20 =	vld [tilespmem:s7+$0x180]  }
0x2a2: {  	v22 =	vld [tilespmem:s7+$0x200]  }
0x2a3: {  	v23 =	vld [tilespmem:s7+$0x280]  }
0x2a4: {  	v24 =	vld [tilespmem:s7+$0x300]  }
0x2a5: {  	s10 =	sadd.s32 s2, s3;
	v25 =	vld [tilespmem:s7+$0x380]  }
0x2a6: {  	v14 =	vld [tilespmem:s10+$0x0]  }
0x2a7: {  	s16 =	sshll.u32 s31, $0x8;
	s17 =	sshll.u32 s31, $0x7;
	v12 =	vld [tilespmem:s10+$0x80];
	v17 =	vmul.f32 v13, v4;
	v18 =	vmul.f32 v15, v5  }
0x2a8: {  	s3 =	sand.u32 $0x800, s16;
	s7 =	sand.u32 $0x380, s17;
	v13 =	vld [tilespmem:s10+$0x100];
	v19 =	vmul.f32 v16, v6;
	v21 =	vmul.f32 v20, v7  }
0x2a9: {  	s11 =	simm.s32 $0x0;
	s3 =	sor.u32 s7, s3;
	v15 =	vld [tilespmem:s10+$0x180];
	v20 =	vmul.f32 v22, v8;
	v22 =	vmul.f32 v23, v9  }
0x2aa: {  	s12 =	simm.s32 $0x100;
	s8 =	simm.s32 $0x20;
	s7 =	sadd.s32 $0x1D800, s3;
	v16 =	vld [tilespmem:s10+$0x200];
	v23 =	vmul.f32 v24, v10;
	v24 =	vmul.f32 v25, v11  }
.LBB2_18:
0x2ab: {  	s3 =	sand.u32 $0x60, s8;
	s14 =	sand.u32 $0x400, s12;
	v14 =	vmul.f32 v14, v4;
	v25 =	vld [tilespmem:s10+$0x280];
	v17 =	vadd.f32 v18, v17;
	v18 =	vadd.f32 v21, v19  }
0x2ac: {  	v20 =	vadd.f32 v22, v20;
	s15 =	sadd.s32 s14, s6;
	s16 =	sor.u32 $0x10, s3;
	v12 =	vmul.f32 v12, v5;
	v19 =	vld [tilespmem:s10+$0x300];
	v21 =	vadd.f32 v24, v23  }
0x2ad: {  	s17 =	sadd.s32 s16, s15;
	v13 =	vmul.f32 v13, v6;
	v22 =	vld [tilespmem:s10+$0x380];
	s10 =	sadd.s32 s3, s15  }
0x2ae: {  	v17 =	vadd.f32 v18, v17;
	v23 =	vld [tilespmem:s17+$0x0];
	v15 =	vmul.f32 v15, v7;
	v18 =	vadd.f32 v21, v20  }
0x2af: {  	v12 =	vadd.f32 v12, v14;
	v20 =	vld [tilespmem:s17+$0x80];
	v16 =	vmul.f32 v16, v8  }
0x2b0: {  	s15 =	sadd.s32 s0, s7;
	s0 =	smov.u32 s14;
	v21 =	vld [tilespmem:s17+$0x100];
	v14 =	vmul.f32 v25, v9;
	v13 =	vadd.f32 v15, v13;
	v15 =	vadd.f32 v18, v17  }
0x2b1: {  	s14 =	sadd.s32 s2, s15;
	s13 =	sadd.s32 s13, s15;
	s2 =	smov.u32 s3;
	v24 =	vld [tilespmem:s17+$0x180];
	v17 =	vmul.f32 v19, v10  }
0x2b2: {  	s11 =	sadd.s32 $0x2, s11;
	v25 =	vld [tilespmem:s17+$0x200];
	v18 =	vmul.f32 v22, v11;
	v16 =	vadd.f32 v14, v16;
	v22 =	vadd.f32 v13, v12;
	[tilespmem:s13+$0x0] =	vst v15;
	s13 =	smov.u32 s16  }
0x2b3: {  	p0 =	slt.u32 s11, $0xE;
	v26 =	vld [tilespmem:s17+$0x280]  }
0x2b4: {  	v27 =	vld [tilespmem:s17+$0x300];
	v12 =	vadd.f32 v18, v17  }
0x2b5: {  	v28 =	vld [tilespmem:s17+$0x380]  }
.Ltmp7:
0x2b6: {  	v14 =	vld [tilespmem:s10+$0x0];
	v15 =	vadd.f32 v12, v16;
	(pc) =	sbr.rel @p0 .LBB2_18-.Ltmp7, $4  }
0x2b7: {  	v17 =	vmul.f32 v23, v4;
	v18 =	vmul.f32 v20, v5;
	v12 =	vld [tilespmem:s10+$0x80]  }
0x2b8: {  	v19 =	vmul.f32 v21, v6;
	v21 =	vmul.f32 v24, v7;
	v13 =	vld [tilespmem:s10+$0x100];
	v29 =	vadd.f32 v15, v22  }
0x2b9: {  	v20 =	vmul.f32 v25, v8;
	v22 =	vmul.f32 v26, v9;
	v15 =	vld [tilespmem:s10+$0x180]  }
0x2ba: {  	s12 =	sadd.s32 $0x100, s12;
	s8 =	sadd.s32 $0x20, s8;
	v23 =	vmul.f32 v27, v10;
	v16 =	vld [tilespmem:s10+$0x200];
	v24 =	vmul.f32 v28, v11;
	[tilespmem:s14+$0x0] =	vst v29  }
0x2bb: {  	v25 =	vld [tilespmem:s10+$0x280]  }
0x2bc: {  	v26 =	vld [tilespmem:s10+$0x300]  }
0x2bd: {  	v27 =	vld [tilespmem:s10+$0x380];
	_ =	sdelay $0x1  }
0x2be: {  	v17 =	vadd.f32 v18, v17;
	v14 =	vmul.f32 v14, v4;
	v12 =	vmul.f32 v12, v5  }
0x2bf: {  	v52 =	vadd.f32 v21, v19;
	v13 =	vmul.f32 v13, v6;
	v15 =	vmul.f32 v15, v7  }
0x2c0: {  	v53 =	vadd.f32 v22, v20;
	v16 =	vmul.f32 v16, v8;
	v54 =	vmul.f32 v25, v9  }
0x2c1: {  	v55 =	vadd.f32 v24, v23;
	v56 =	vmul.f32 v26, v10;
	v57 =	vmul.f32 v27, v11  }
0x2c2: {  	v12 =	vadd.f32 v12, v14;
	v13 =	vadd.f32 v15, v13  }
0x2c3: {  	s31 =	sadd.s32 $0x1, s31;
	v58 =	vadd.f32 v54, v16;
	v59 =	vadd.f32 v57, v56  }
0x2c4: {  	p0 =	sne.s32 s31, $0x10;
	v60 =	vadd.f32 v52, v17;
	v61 =	vadd.f32 v55, v53  }
.Ltmp8:
0x2c5: {  	v12 =	vadd.f32 v13, v12;
	v62 =	vadd.f32 v59, v58;
	(pc) =	sbr.rel @p0 .LBB2_17-.Ltmp8, $4  }
0x2c6: {  	s0 =	sadd.s32 s0, s7;
	v63 =	vadd.f32 v61, v60  }
0x2c7: {  	s3 =	sadd.s32 s13, s0;
	v12 =	vadd.f32 v62, v12  }
0x2c8: {  	s0 =	sadd.s32 s2, s0;
	[tilespmem:s3+$0x0] =	vst v63  }
0x2c9: {  	[tilespmem:s0+$0x0] =	vst v12  }
0x2ca: {  	s0 =	sadd.s32 s9, s30  }
0x2cb: {  	[hbm4b:s0+s4] =	stream.linear.scatter [tilespmem:s23], [sflag:$0x4], $0x1000, $0x38;
	[tilespmem:$0x1E880] =	vst v63  }
0x2cc: {  	v12 =	vld [tilespmem:s28+$0x180];
	_ =	sdelay $0x4  }
0x2cd: {  	v13 =	vshll.u32 v12, $0x1  }
0x2ce: {  	v12 =	vand.u32 $0x7, v12;
	v13 =	vand.u32 $0xFFFFFFF0, v13  }
0x2cf: {  	v12 =	vor.u32 v12, v13  }
0x2d0: {  	v13 =	vperm.xlane v12, v0;
	_ =	sdelay $0x1  }
0x2d1: {  	v12 =	vperm.xlane v12, v3;
	v13 =	vadd.s32 v2, v13;
	_ =	sdelay $0x1  }
0x2d2: {  	v12 =	vadd.s32 v2, v12;
	_ =	sdelay $0x1  }
0x2d3: {  	s6 =	simm.s32 $0x14800  }
0x2d4: {  	[tilespmem:s6], [sflag:$0x2] =	stream.indirect_vreg.gather [hbm4b:s1+s4], $0x80, v13, vm0, $0xb8;
	[tilespmem:$0x1E880] =	vst v63  }
0x2d5: {  	s7 =	simm.s32 $0x15000  }
0x2d6: {  	[tilespmem:s7], [sflag:$0x2] =	stream.indirect_vreg.gather [hbm4b:s1+s4], $0x80, v12, vm0, $0xb8;
	[tilespmem:$0x1E880] =	vst v63  }
0x2d7: {  	v12 =	vld [tilespmem:s28+$0x190];
	_ =	sdelay $0x4  }
0x2d8: {  	v57 =	vshll.u32 v12, $0x1  }
0x2d9: {  	v12 =	vand.u32 $0x7, v12;
	v13 =	vand.u32 $0xFFFFFFF0, v57  }
0x2da: {  	v12 =	vor.u32 v12, v13  }
0x2db: {  	v13 =	vperm.xlane v12, v0;
	_ =	sdelay $0x1  }
0x2dc: {  	v12 =	vperm.xlane v12, v3;
	v13 =	vadd.s32 v2, v13;
	_ =	sdelay $0x1  }
0x2dd: {  	v12 =	vadd.s32 v2, v12;
	_ =	sdelay $0x1  }
0x2de: {  	s8 =	simm.s32 $0x15800  }
0x2df: {  	[tilespmem:s8], [sflag:$0x2] =	stream.indirect_vreg.gather [hbm4b:s1+s4], $0x80, v13, vm0, $0xb8;
	[tilespmem:$0x1E880] =	vst v63  }
0x2e0: {  	s10 =	simm.s32 $0x16000  }
0x2e1: {  	[tilespmem:s10], [sflag:$0x2] =	stream.indirect_vreg.gather [hbm4b:s1+s4], $0x80, v12, vm0, $0xb8;
	[tilespmem:$0x1E880] =	vst v63  }
0x2e2: {  	v12 =	vld [tilespmem:s28+$0x1A0];
	_ =	sdelay $0x4  }
0x2e3: {  	v58 =	vshll.u32 v12, $0x1  }
0x2e4: {  	v12 =	vand.u32 $0x7, v12;
	v13 =	vand.u32 $0xFFFFFFF0, v58  }
0x2e5: {  	v12 =	vor.u32 v12, v13  }
0x2e6: {  	v13 =	vperm.xlane v12, v0;
	_ =	sdelay $0x1  }
0x2e7: {  	v12 =	vperm.xlane v12, v3;
	v13 =	vadd.s32 v2, v13;
	_ =	sdelay $0x1  }
0x2e8: {  	v12 =	vadd.s32 v2, v12;
	_ =	sdelay $0x1  }
0x2e9: {  	s11 =	simm.s32 $0x16800  }
0x2ea: {  	[tilespmem:s11], [sflag:$0x2] =	stream.indirect_vreg.gather [hbm4b:s1+s4], $0x80, v13, vm0, $0xb8;
	[tilespmem:$0x1E880] =	vst v63  }
0x2eb: {  	s12 =	simm.s32 $0x17000  }
0x2ec: {  	[tilespmem:s12], [sflag:$0x2] =	stream.indirect_vreg.gather [hbm4b:s1+s4], $0x80, v12, vm0, $0xb8;
	[tilespmem:$0x1E880] =	vst v63  }
0x2ed: {  	v12 =	vld [tilespmem:s28+$0x1B0];
	_ =	sdelay $0x4  }
0x2ee: {  	v59 =	vshll.u32 v12, $0x1  }
0x2ef: {  	v12 =	vand.u32 $0x7, v12;
	v13 =	vand.u32 $0xFFFFFFF0, v59  }
0x2f0: {  	v12 =	vor.u32 v12, v13  }
0x2f1: {  	v13 =	vperm.xlane v12, v0;
	_ =	sdelay $0x1  }
0x2f2: {  	v12 =	vperm.xlane v12, v3;
	v13 =	vadd.s32 v2, v13;
	_ =	sdelay $0x1  }
0x2f3: {  	v12 =	vadd.s32 v2, v12;
	_ =	sdelay $0x1  }
0x2f4: {  	s13 =	simm.s32 $0x17800  }
0x2f5: {  	[tilespmem:s13], [sflag:$0x2] =	stream.indirect_vreg.gather [hbm4b:s1+s4], $0x80, v13, vm0, $0xb8;
	[tilespmem:$0x1E880] =	vst v63  }
0x2f6: {  	s14 =	simm.s32 $0x18000  }
0x2f7: {  	[tilespmem:s14], [sflag:$0x2] =	stream.indirect_vreg.gather [hbm4b:s1+s4], $0x80, v12, vm0, $0xb8;
	[tilespmem:$0x1E880] =	vst v63  }
0x2f8: {  	v12 =	vld [tilespmem:s28+$0x1C0];
	_ =	sdelay $0x4  }
0x2f9: {  	v60 =	vshll.u32 v12, $0x1  }
0x2fa: {  	v12 =	vand.u32 $0x7, v12;
	v13 =	vand.u32 $0xFFFFFFF0, v60  }
0x2fb: {  	v12 =	vor.u32 v12, v13  }
0x2fc: {  	v13 =	vperm.xlane v12, v0;
	_ =	sdelay $0x1  }
0x2fd: {  	v12 =	vperm.xlane v12, v3;
	v13 =	vadd.s32 v2, v13;
	_ =	sdelay $0x1  }
0x2fe: {  	v12 =	vadd.s32 v2, v12;
	_ =	sdelay $0x1  }
0x2ff: {  	s15 =	simm.s32 $0x18800  }
0x300: {  	[tilespmem:s15], [sflag:$0x2] =	stream.indirect_vreg.gather [hbm4b:s1+s4], $0x80, v13, vm0, $0xb8;
	[tilespmem:$0x1E880] =	vst v63  }
0x301: {  	s16 =	simm.s32 $0x19000  }
0x302: {  	[tilespmem:s16], [sflag:$0x2] =	stream.indirect_vreg.gather [hbm4b:s1+s4], $0x80, v12, vm0, $0xb8;
	[tilespmem:$0x1E880] =	vst v63  }
0x303: {  	v12 =	vld [tilespmem:s28+$0x1D0];
	_ =	sdelay $0x4  }
0x304: {  	v61 =	vshll.u32 v12, $0x1  }
0x305: {  	v12 =	vand.u32 $0x7, v12;
	v13 =	vand.u32 $0xFFFFFFF0, v61  }
0x306: {  	v12 =	vor.u32 v12, v13  }
0x307: {  	v13 =	vperm.xlane v12, v0;
	_ =	sdelay $0x1  }
0x308: {  	v12 =	vperm.xlane v12, v3;
	v13 =	vadd.s32 v2, v13;
	_ =	sdelay $0x1  }
0x309: {  	v12 =	vadd.s32 v2, v12;
	_ =	sdelay $0x1  }
0x30a: {  	s17 =	simm.s32 $0x19800  }
0x30b: {  	[tilespmem:s17], [sflag:$0x2] =	stream.indirect_vreg.gather [hbm4b:s1+s4], $0x80, v13, vm0, $0xb8;
	[tilespmem:$0x1E880] =	vst v63  }
0x30c: {  	s29 =	simm.s32 $0x1A000  }
0x30d: {  	[tilespmem:s29], [sflag:$0x2] =	stream.indirect_vreg.gather [hbm4b:s1+s4], $0x80, v12, vm0, $0xb8;
	[tilespmem:$0x1E880] =	vst v63  }
0x30e: {  	v12 =	vld [tilespmem:s28+$0x1E0];
	_ =	sdelay $0x4  }
0x30f: {  	v62 =	vshll.u32 v12, $0x1  }
0x310: {  	v12 =	vand.u32 $0x7, v12;
	v13 =	vand.u32 $0xFFFFFFF0, v62  }
0x311: {  	v12 =	vor.u32 v12, v13  }
0x312: {  	v13 =	vperm.xlane v12, v0;
	_ =	sdelay $0x1  }
0x313: {  	v12 =	vperm.xlane v12, v3;
	v13 =	vadd.s32 v2, v13;
	_ =	sdelay $0x1  }
0x314: {  	v12 =	vadd.s32 v2, v12;
	_ =	sdelay $0x1  }
0x315: {  	s30 =	simm.s32 $0x1A800  }
0x316: {  	[tilespmem:s30], [sflag:$0x2] =	stream.indirect_vreg.gather [hbm4b:s1+s4], $0x80, v13, vm0, $0xb8;
	[tilespmem:$0x1E880] =	vst v63  }
0x317: {  	s31 =	simm.s32 $0x1B000  }
0x318: {  	[tilespmem:s31], [sflag:$0x2] =	stream.indirect_vreg.gather [hbm4b:s1+s4], $0x80, v12, vm0, $0xb8;
	[tilespmem:$0x1E880] =	vst v63  }
0x319: {  	v12 =	vld [tilespmem:s28+$0x1F0];
	_ =	sdelay $0x4  }
0x31a: {  	v63 =	vshll.u32 v12, $0x1  }
0x31b: {  	v12 =	vand.u32 $0x7, v12;
	v13 =	vand.u32 $0xFFFFFFF0, v63  }
0x31c: {  	v12 =	vor.u32 v12, v13  }
0x31d: {  	v13 =	vperm.xlane v12, v0;
	_ =	sdelay $0x1  }
0x31e: {  	v12 =	vperm.xlane v12, v3;
	v13 =	vadd.s32 v2, v13  }
0x31f: {  	s26 =	sadd.s32 $0x1, s26  }
0x320: {  	p0 =	sne.s32 s26, $0xC7;
	v12 =	vadd.s32 v2, v12  }
.Ltmp9:
0x321: {  	_ = 	snop;
	(pc) =	sbr.rel @p0 .LBB2_12-.Ltmp9, $4  }
0x322: {  	_ = 	snop  }
0x323: {  	[tilespmem:s18], [sflag:$0x2] =	stream.indirect_vreg.gather [hbm4b:s1+s4], $0x80, v13, vm0, $0xb8;
	[tilespmem:$0x1E880] =	vst v63  }
0x324: {  	_ = 	snop  }
0x325: {  	[tilespmem:s19], [sflag:$0x2] =	stream.indirect_vreg.gather [hbm4b:s1+s4], $0x80, v12, vm0, $0xb8;
	[tilespmem:$0x1E880] =	vst v63  }
0x326: {  	_ =	swait.ge [sflag:s20], $0x8000  }
0x327: {  	[sflag:s20] =	ssyncset.done $0x0  }
0x328: {  	[sflag:s20] =	ssyncadd.s32 $0xFFFF8000  }
0x329: {  	_ =	swait.ge [sflag:s24], $0x1000  }
0x32a: {  	[sflag:s24] =	ssyncset.done $0x0  }
0x32b: {  	s26 =	simm.s32 $0x0;
	s28 =	simm.s32 $0x0;
	[sflag:s24] =	ssyncadd.s32 $0xFFFFF000  }
.LBB2_22:
0x32c: {  	s0 =	sshll.u32 s28, $0xB  }
0x32d: {  	s0 =	sand.u32 $0x3FFFF800, s0  }
0x32e: {  	s2 =	sand.u32 $0x60, s26;
	s6 =	sadd.s32 $0xC800, s0;
	s0 =	sand.u32 $0x400, s26  }
0x32f: {  	s13 =	sor.u32 $0x10, s2;
	s3 =	sadd.s32 s0, s6  }
0x330: {  	s7 =	sadd.s32 s13, s3  }
0x331: {  	v13 =	vld [tilespmem:s7+$0x0]  }
0x332: {  	v15 =	vld [tilespmem:s7+$0x80]  }
0x333: {  	v16 =	vld [tilespmem:s7+$0x100]  }
0x334: {  	v20 =	vld [tilespmem:s7+$0x180]  }
0x335: {  	v22 =	vld [tilespmem:s7+$0x200]  }
0x336: {  	v23 =	vld [tilespmem:s7+$0x280]  }
0x337: {  	v24 =	vld [tilespmem:s7+$0x300]  }
0x338: {  	s10 =	sadd.s32 s2, s3;
	v25 =	vld [tilespmem:s7+$0x380]  }
0x339: {  	v14 =	vld [tilespmem:s10+$0x0]  }
0x33a: {  	s30 =	sshll.u32 s28, $0x8;
	s31 =	sshll.u32 s28, $0x7;
	v12 =	vld [tilespmem:s10+$0x80];
	v17 =	vmul.f32 v13, v4;
	v18 =	vmul.f32 v15, v5  }
0x33b: {  	s3 =	sand.u32 $0x800, s30;
	s7 =	sand.u32 $0x380, s31;
	v13 =	vld [tilespmem:s10+$0x100];
	v19 =	vmul.f32 v16, v6;
	v21 =	vmul.f32 v20, v7  }
0x33c: {  	s11 =	simm.s32 $0x0;
	s3 =	sor.u32 s7, s3;
	v15 =	vld [tilespmem:s10+$0x180];
	v20 =	vmul.f32 v22, v8;
	v22 =	vmul.f32 v23, v9  }
0x33d: {  	s12 =	simm.s32 $0x100;
	s8 =	simm.s32 $0x20;
	s7 =	sadd.s32 $0x1C800, s3;
	v16 =	vld [tilespmem:s10+$0x200];
	v23 =	vmul.f32 v24, v10;
	v24 =	vmul.f32 v25, v11  }
.LBB2_23:
0x33e: {  	s3 =	sand.u32 $0x60, s8;
	s14 =	sand.u32 $0x400, s12;
	v14 =	vmul.f32 v14, v4;
	v25 =	vld [tilespmem:s10+$0x280];
	v17 =	vadd.f32 v18, v17;
	v18 =	vadd.f32 v21, v19  }
0x33f: {  	v20 =	vadd.f32 v22, v20;
	s15 =	sadd.s32 s14, s6;
	s16 =	sor.u32 $0x10, s3;
	v12 =	vmul.f32 v12, v5;
	v19 =	vld [tilespmem:s10+$0x300];
	v21 =	vadd.f32 v24, v23  }
0x340: {  	s17 =	sadd.s32 s16, s15;
	v13 =	vmul.f32 v13, v6;
	v22 =	vld [tilespmem:s10+$0x380];
	s10 =	sadd.s32 s3, s15  }
0x341: {  	v17 =	vadd.f32 v18, v17;
	v23 =	vld [tilespmem:s17+$0x0];
	v15 =	vmul.f32 v15, v7;
	v18 =	vadd.f32 v21, v20  }
0x342: {  	v12 =	vadd.f32 v12, v14;
	v20 =	vld [tilespmem:s17+$0x80];
	v16 =	vmul.f32 v16, v8  }
0x343: {  	s15 =	sadd.s32 s0, s7;
	s0 =	smov.u32 s14;
	v21 =	vld [tilespmem:s17+$0x100];
	v14 =	vmul.f32 v25, v9;
	v13 =	vadd.f32 v15, v13;
	v15 =	vadd.f32 v18, v17  }
0x344: {  	s14 =	sadd.s32 s2, s15;
	s13 =	sadd.s32 s13, s15;
	s2 =	smov.u32 s3;
	v24 =	vld [tilespmem:s17+$0x180];
	v17 =	vmul.f32 v19, v10  }
0x345: {  	s11 =	sadd.s32 $0x2, s11;
	v25 =	vld [tilespmem:s17+$0x200];
	v18 =	vmul.f32 v22, v11;
	v16 =	vadd.f32 v14, v16;
	v22 =	vadd.f32 v13, v12;
	[tilespmem:s13+$0x0] =	vst v15;
	s13 =	smov.u32 s16  }
0x346: {  	p0 =	slt.u32 s11, $0xE;
	v26 =	vld [tilespmem:s17+$0x280]  }
0x347: {  	v27 =	vld [tilespmem:s17+$0x300];
	v12 =	vadd.f32 v18, v17  }
0x348: {  	v28 =	vld [tilespmem:s17+$0x380]  }
.Ltmp10:
0x349: {  	v14 =	vld [tilespmem:s10+$0x0];
	v15 =	vadd.f32 v12, v16;
	(pc) =	sbr.rel @p0 .LBB2_23-.Ltmp10, $4  }
0x34a: {  	v17 =	vmul.f32 v23, v4;
	v18 =	vmul.f32 v20, v5;
	v12 =	vld [tilespmem:s10+$0x80]  }
0x34b: {  	v19 =	vmul.f32 v21, v6;
	v21 =	vmul.f32 v24, v7;
	v13 =	vld [tilespmem:s10+$0x100];
	v29 =	vadd.f32 v15, v22  }
0x34c: {  	v20 =	vmul.f32 v25, v8;
	v22 =	vmul.f32 v26, v9;
	v15 =	vld [tilespmem:s10+$0x180]  }
0x34d: {  	s12 =	sadd.s32 $0x100, s12;
	s8 =	sadd.s32 $0x20, s8;
	v23 =	vmul.f32 v27, v10;
	v16 =	vld [tilespmem:s10+$0x200];
	v24 =	vmul.f32 v28, v11;
	[tilespmem:s14+$0x0] =	vst v29  }
0x34e: {  	v25 =	vld [tilespmem:s10+$0x280]  }
0x34f: {  	v26 =	vld [tilespmem:s10+$0x300]  }
0x350: {  	v27 =	vld [tilespmem:s10+$0x380];
	_ =	sdelay $0x1  }
0x351: {  	v17 =	vadd.f32 v18, v17;
	v14 =	vmul.f32 v14, v4;
	v12 =	vmul.f32 v12, v5  }
0x352: {  	v52 =	vadd.f32 v21, v19;
	v13 =	vmul.f32 v13, v6;
	v15 =	vmul.f32 v15, v7  }
0x353: {  	v53 =	vadd.f32 v22, v20;
	v16 =	vmul.f32 v16, v8;
	v54 =	vmul.f32 v25, v9  }
0x354: {  	v55 =	vadd.f32 v24, v23;
	v56 =	vmul.f32 v26, v10;
	v57 =	vmul.f32 v27, v11  }
0x355: {  	v12 =	vadd.f32 v12, v14;
	v13 =	vadd.f32 v15, v13  }
0x356: {  	s28 =	sadd.s32 $0x1, s28;
	v58 =	vadd.f32 v54, v16;
	v59 =	vadd.f32 v57, v56  }
0x357: {  	p0 =	sne.s32 s28, $0x10;
	v60 =	vadd.f32 v52, v17;
	v61 =	vadd.f32 v55, v53  }
.Ltmp11:
0x358: {  	v12 =	vadd.f32 v13, v12;
	v62 =	vadd.f32 v59, v58;
	(pc) =	sbr.rel @p0 .LBB2_22-.Ltmp11, $4  }
0x359: {  	s0 =	sadd.s32 s0, s7;
	v63 =	vadd.f32 v61, v60  }
0x35a: {  	s3 =	sadd.s32 s13, s0;
	v12 =	vadd.f32 v62, v12  }
0x35b: {  	s0 =	sadd.s32 s2, s0;
	[tilespmem:s3+$0x0] =	vst v63  }
0x35c: {  	[tilespmem:s0+$0x0] =	vst v12  }
0x35d: {  	s26 =	simm.s32 $0x0;
	s0 =	rddreg [dreg:$0x7]  }
0x35e: {  	[hbm4b:s0+s26] =	stream.linear.scatter [tilespmem:s21], [sflag:$0x3], $0x1000, $0x38;
	[tilespmem:$0x1E880] =	vst v63  }
0x35f: {  	_ =	swait.ge [sflag:s22], $0x8000  }
0x360: {  	[sflag:s22] =	ssyncset.done $0x0  }
0x361: {  	[sflag:s22] =	ssyncadd.s32 $0xFFFF8000  }
0x362: {  	_ =	swait.ge [sflag:s25], $0x1000  }
0x363: {  	[sflag:s25] =	ssyncset.done $0x0  }
0x364: {  	s28 =	simm.s32 $0x0;
	[sflag:s25] =	ssyncadd.s32 $0xFFFFF000  }
.LBB2_26:
0x365: {  	s0 =	sshll.u32 s28, $0xB  }
0x366: {  	s0 =	sand.u32 $0x3FFFF800, s0  }
0x367: {  	s2 =	sand.u32 $0x60, s26;
	s6 =	sadd.s32 $0x14800, s0;
	s0 =	sand.u32 $0x400, s26  }
0x368: {  	s13 =	sor.u32 $0x10, s2;
	s3 =	sadd.s32 s0, s6  }
0x369: {  	s7 =	sadd.s32 s13, s3  }
0x36a: {  	v13 =	vld [tilespmem:s7+$0x0]  }
0x36b: {  	v15 =	vld [tilespmem:s7+$0x80]  }
0x36c: {  	v16 =	vld [tilespmem:s7+$0x100]  }
0x36d: {  	v20 =	vld [tilespmem:s7+$0x180]  }
0x36e: {  	v22 =	vld [tilespmem:s7+$0x200]  }
0x36f: {  	v23 =	vld [tilespmem:s7+$0x280]  }
0x370: {  	v24 =	vld [tilespmem:s7+$0x300]  }
0x371: {  	s10 =	sadd.s32 s2, s3;
	v25 =	vld [tilespmem:s7+$0x380]  }
0x372: {  	v14 =	vld [tilespmem:s10+$0x0]  }
0x373: {  	s30 =	sshll.u32 s28, $0x8;
	s31 =	sshll.u32 s28, $0x7;
	v12 =	vld [tilespmem:s10+$0x80];
	v17 =	vmul.f32 v13, v4;
	v18 =	vmul.f32 v15, v5  }
0x374: {  	s3 =	sand.u32 $0x800, s30;
	s7 =	sand.u32 $0x380, s31;
	v13 =	vld [tilespmem:s10+$0x100];
	v19 =	vmul.f32 v16, v6;
	v21 =	vmul.f32 v20, v7  }
0x375: {  	s11 =	simm.s32 $0x0;
	s3 =	sor.u32 s7, s3;
	v15 =	vld [tilespmem:s10+$0x180];
	v20 =	vmul.f32 v22, v8;
	v22 =	vmul.f32 v23, v9  }
0x376: {  	s12 =	simm.s32 $0x100;
	s8 =	simm.s32 $0x20;
	s7 =	sadd.s32 $0x1D800, s3;
	v16 =	vld [tilespmem:s10+$0x200];
	v23 =	vmul.f32 v24, v10;
	v24 =	vmul.f32 v25, v11  }
.LBB2_27:
0x377: {  	s3 =	sand.u32 $0x60, s8;
	s14 =	sand.u32 $0x400, s12;
	v14 =	vmul.f32 v14, v4;
	v25 =	vld [tilespmem:s10+$0x280];
	v17 =	vadd.f32 v18, v17;
	v18 =	vadd.f32 v21, v19  }
0x378: {  	v20 =	vadd.f32 v22, v20;
	s15 =	sadd.s32 s14, s6;
	s16 =	sor.u32 $0x10, s3;
	v12 =	vmul.f32 v12, v5;
	v19 =	vld [tilespmem:s10+$0x300];
	v21 =	vadd.f32 v24, v23  }
0x379: {  	s17 =	sadd.s32 s16, s15;
	v13 =	vmul.f32 v13, v6;
	v22 =	vld [tilespmem:s10+$0x380];
	s10 =	sadd.s32 s3, s15  }
0x37a: {  	v17 =	vadd.f32 v18, v17;
	v23 =	vld [tilespmem:s17+$0x0];
	v15 =	vmul.f32 v15, v7;
	v18 =	vadd.f32 v21, v20  }
0x37b: {  	v12 =	vadd.f32 v12, v14;
	v20 =	vld [tilespmem:s17+$0x80];
	v16 =	vmul.f32 v16, v8  }
0x37c: {  	s15 =	sadd.s32 s0, s7;
	s0 =	smov.u32 s14;
	v21 =	vld [tilespmem:s17+$0x100];
	v14 =	vmul.f32 v25, v9;
	v13 =	vadd.f32 v15, v13;
	v15 =	vadd.f32 v18, v17  }
0x37d: {  	s14 =	sadd.s32 s2, s15;
	s13 =	sadd.s32 s13, s15;
	s2 =	smov.u32 s3;
	v24 =	vld [tilespmem:s17+$0x180];
	v17 =	vmul.f32 v19, v10  }
0x37e: {  	s11 =	sadd.s32 $0x2, s11;
	v25 =	vld [tilespmem:s17+$0x200];
	v18 =	vmul.f32 v22, v11;
	v16 =	vadd.f32 v14, v16;
	v22 =	vadd.f32 v13, v12;
	[tilespmem:s13+$0x0] =	vst v15;
	s13 =	smov.u32 s16  }
0x37f: {  	p0 =	slt.u32 s11, $0xE;
	v26 =	vld [tilespmem:s17+$0x280]  }
0x380: {  	v27 =	vld [tilespmem:s17+$0x300];
	v12 =	vadd.f32 v18, v17  }
0x381: {  	v28 =	vld [tilespmem:s17+$0x380]  }
.Ltmp12:
0x382: {  	v14 =	vld [tilespmem:s10+$0x0];
	v15 =	vadd.f32 v12, v16;
	(pc) =	sbr.rel @p0 .LBB2_27-.Ltmp12, $4  }
0x383: {  	v17 =	vmul.f32 v23, v4;
	v18 =	vmul.f32 v20, v5;
	v12 =	vld [tilespmem:s10+$0x80]  }
0x384: {  	v19 =	vmul.f32 v21, v6;
	v21 =	vmul.f32 v24, v7;
	v13 =	vld [tilespmem:s10+$0x100];
	v29 =	vadd.f32 v15, v22  }
0x385: {  	v20 =	vmul.f32 v25, v8;
	v22 =	vmul.f32 v26, v9;
	v15 =	vld [tilespmem:s10+$0x180]  }
0x386: {  	s12 =	sadd.s32 $0x100, s12;
	s8 =	sadd.s32 $0x20, s8;
	v23 =	vmul.f32 v27, v10;
	v16 =	vld [tilespmem:s10+$0x200];
	v24 =	vmul.f32 v28, v11;
	[tilespmem:s14+$0x0] =	vst v29  }
0x387: {  	v25 =	vld [tilespmem:s10+$0x280]  }
0x388: {  	v26 =	vld [tilespmem:s10+$0x300]  }
0x389: {  	v27 =	vld [tilespmem:s10+$0x380];
	_ =	sdelay $0x1  }
0x38a: {  	v17 =	vadd.f32 v18, v17;
	v14 =	vmul.f32 v14, v4;
	v12 =	vmul.f32 v12, v5  }
0x38b: {  	v52 =	vadd.f32 v21, v19;
	v13 =	vmul.f32 v13, v6;
	v15 =	vmul.f32 v15, v7  }
0x38c: {  	v53 =	vadd.f32 v22, v20;
	v16 =	vmul.f32 v16, v8;
	v54 =	vmul.f32 v25, v9  }
0x38d: {  	v55 =	vadd.f32 v24, v23;
	v56 =	vmul.f32 v26, v10;
	v57 =	vmul.f32 v27, v11  }
0x38e: {  	v12 =	vadd.f32 v12, v14;
	v13 =	vadd.f32 v15, v13  }
0x38f: {  	s28 =	sadd.s32 $0x1, s28;
	v58 =	vadd.f32 v54, v16;
	v59 =	vadd.f32 v57, v56  }
0x390: {  	p0 =	sne.s32 s28, $0x10;
	v60 =	vadd.f32 v52, v17;
	v61 =	vadd.f32 v55, v53  }
.Ltmp13:
0x391: {  	v12 =	vadd.f32 v13, v12;
	v62 =	vadd.f32 v59, v58;
	(pc) =	sbr.rel @p0 .LBB2_26-.Ltmp13, $4  }
0x392: {  	s0 =	sadd.s32 s0, s7;
	v63 =	vadd.f32 v61, v60  }
0x393: {  	s3 =	sadd.s32 s13, s0;
	v12 =	vadd.f32 v62, v12  }
0x394: {  	s0 =	sadd.s32 s2, s0;
	[tilespmem:s3+$0x0] =	vst v63  }
0x395: {  	[tilespmem:s0+$0x0] =	vst v12  }
0x396: {  	s0 =	rddreg [dreg:$0x8]  }
0x397: {  	[hbm4b:s0+s4] =	stream.linear.scatter [tilespmem:s23], [sflag:$0x4], $0x1000, $0x38;
	[tilespmem:$0x1E880] =	vst v63  }
0x398: {  	_ =	swait.ge [sflag:s24], $0x1000  }
0x399: {  	[sflag:s24] =	ssyncset.done $0x0  }
0x39a: {  	[sflag:s24] =	ssyncadd.s32 $0xFFFFF000  }
0x39b: {  	_ =	swait.ge [sflag:s25], $0x1000  }
0x39c: {  	s2 =	rddreg [dreg:$0xa]  }
0x39d: {  	s31 =	rddreg [dreg:$0x9];
	s2 =	sadd.s32 $0x1, s2  }
0x39e: {  	p0 =	sne.s32 s2, s31  }
.Ltmp14:
0x39f: {  	_ = 	snop;
	(pc) =	sbr.rel @p0 .LBB2_1-.Ltmp14, $3  }
0x3a0: {  	_ =	sdelay $0x1  }
0x3a1: {  	[sflag:s25] =	ssyncset.done $0x0  }
0x3a2: {  	[sflag:s25] =	ssyncadd.s32 $0xFFFFF000  }
0x3a3: {  	_ =	sfence.sel $0x180000  }
0x3a4: {  	[bflag:$0x0] =	sbarrier.arrive $0xFFFF  }
0x3a5: {  	_ =	strace $0x90000047  }
0x3a6: {  	s0 =	stileid.u32;
	[bflag:$0x2] =	sbarrier.arrive $0xFFFF  }
0x3a7: {  	p0 =	sne.s32 s0, $0x0;
	s0 =	rddreg [dreg:$0x3]  }
0x3a8: {  	s0 =	sadd.s32 @!p0 $0x100000, s0  }
0x3a9: {  	[sflag:s0] =	ssyncadd.tile.s32 @!p0 $0x1;
	_ =	shalt  }
.Lfunc_end2:
_tile_overlayer_lowered:
.L_overlay_start_2:
0x3aa: {  	(tag) =	ssettag $0x2  }
0x3ab: {  	s0 =	rddreg [dreg:$0x0];
	s2 =	stileid.u32  }
0x3ac: {  	s1 =	rddreg [dreg:$0x1];
	p0 =	sne.s32 s2, $0x0  }
0x3ad: {  	s3 =	rddreg [dreg:$0x2];
	[bflag:$0x3] =	sbarrier.arrive $0xFFFF;
	s2 =	simm.s32 @!p0 $0x1C05  }
0x3ae: {  	[timem:s3], [sflag:s2] =	dma.local @!p0 [hbm:s0], s1  }
0x3af: {  	s0 =	simm.s32 @!p0 $0x5  }
0x3b0: {  	_ =	swait.ge @!p0 [sflag:s0], s1  }
0x3b1: {  	s1 =	ssub.s32 @!p0 $0x0, s1;
	[sflag:s0] =	ssyncset.done @!p0 $0x0  }
0x3b2: {  	[sflag:s0] =	ssyncadd.s32 @!p0 s1  }
0x3b3: {  	[bflag:$0x3] =	sbarrier.arrive $0xFFFF  }
0x3b4: {  	_ =	shalt  }

</sc_bundles>
